<compile_context>
chip_gen: v7x
topology: tpu7x:2x2x1
jax: 0.10.2.dev20260603
libtpu: 0.0.44.dev20260713+nightly
codegen_flags: <defaults>
</compile_context>

<pallas_src>
import jax
import jax.numpy as jnp
from jax import lax
from jax.scipy.special import gammaln
from jax.experimental import pallas as pl
from jax.experimental.pallas import tpu as pltpu
from jax.experimental.pallas import tpu_sc as plsc

N_OBS = 2_000_000
N_IYM = 100_000
NC, NS, LANES = 2, 16, 16
NW = NC * NS
VEC_PER_W = 3906
BLK = VEC_PER_W * LANES
CHUNK = 3472
VEC_PER_CHUNK = CHUNK // LANES
NCHUNK_PER_W = BLK // CHUNK
TAIL_BASE = NW * BLK
Z_PAD = 100_352
Z_VEC_PER_W = Z_PAD // LANES // NW
LN2 = 0.6931471805599453
LOG2E = 1.4426950408889634
LOG2PI = 1.8378770664093453


def _log2_f32(x):
    bits = plsc.bitcast(x, jnp.int32)
    e = lax.shift_right_arithmetic(bits - 0x3F3504F3, 23)
    mant = plsc.bitcast(bits - lax.shift_left(e, 23), jnp.float32)
    return (e.astype(jnp.float32)
            + (2.8853900817779268 * mant - 2.8853900817779268) / (mant + 1.0))


def _sc_body(sales_h, sp_h, iidx_h, widx_h, z_h, scal_h, c_h, ypl_h, wday_h,
             out_h, z_v, b_sales, b_sp, b_ii, b_wi, scal_v, c_v, ypl_v,
             wday_v, acc_v, sem):
    wid = lax.axis_index("s") * NC + lax.axis_index("c")

    def issue(t, poff):
        base = wid * BLK + t * CHUNK
        pltpu.async_copy(sales_h.at[pl.ds(base, CHUNK)],
                         b_sales.at[pl.ds(poff, CHUNK)], sem)
        pltpu.async_copy(sp_h.at[pl.ds(base, CHUNK)],
                         b_sp.at[pl.ds(poff, CHUNK)], sem)
        pltpu.async_copy(iidx_h.at[pl.ds(base, CHUNK)],
                         b_ii.at[pl.ds(poff, CHUNK)], sem)
        pltpu.async_copy(widx_h.at[pl.ds(base, CHUNK)],
                         b_wi.at[pl.ds(poff, CHUNK)], sem)

    def drain():
        pltpu.make_async_copy(z_h.at[pl.ds(0, 4 * CHUNK)],
                              z_v.at[pl.ds(0, 4 * CHUNK)], sem).wait()

    issue(0, 0)

    pltpu.sync_copy(z_h, z_v.at[pl.ds(0, N_IYM)])
    zeros16 = jnp.zeros((LANES,), jnp.float32)
    for k in range((Z_PAD - N_IYM) // LANES):
        z_v[pl.ds(N_IYM + k * LANES, LANES)] = zeros16
    pltpu.sync_copy(scal_h, scal_v)
    pltpu.sync_copy(c_h, c_v)
    pltpu.sync_copy(ypl_h, ypl_v)
    pltpu.sync_copy(wday_h, wday_v)
    beta2 = scal_v[pl.ds(0, LANES)]
    phi = scal_v[pl.ds(LANES, LANES)]
    scale2 = scal_v[pl.ds(2 * LANES, LANES)]

    def zbody(j, a):
        z = z_v[pl.ds((wid + NW * j) * LANES, LANES)]
        return a - 0.5 * z * z

    acc = lax.fori_loop(0, Z_VEC_PER_W, zbody, jnp.zeros((LANES,), jnp.float32))

    def ll_vec(yi, sp, ii, wi):
        zg = plsc.load_gather(z_v, [ii])
        wg = plsc.load_gather(wday_v, [wi])
        cg = plsc.load_gather(c_v, [yi])
        ypg = plsc.load_gather(ypl_v, [yi])
        mu = beta2 * sp + scale2 * zg + wg
        m = jnp.exp(mu)
        l2 = _log2_f32(phi + m)
        y = yi.astype(jnp.float32)
        return cg + y * mu - ypg * l2

    def chunk(t, a):
        poff = (t & 1) * CHUNK
        drain()

        @pl.when(t < NCHUNK_PER_W - 1)
        def _():
            issue(t + 1, CHUNK - poff)

        def vec(j, aa):
            off = poff + j * LANES
            return aa + ll_vec(b_sales[pl.ds(off, LANES)],
                               b_sp[pl.ds(off, LANES)],
                               b_ii[pl.ds(off, LANES)],
                               b_wi[pl.ds(off, LANES)])

        return plsc.parallel_loop(0, VEC_PER_CHUNK, 1, carry=a)(vec)

    acc = lax.fori_loop(0, NCHUNK_PER_W, chunk, acc)

    in_tail = wid < 8
    tbase = jnp.where(in_tail, TAIL_BASE + wid * LANES, 0)
    pltpu.sync_copy(sales_h.at[pl.ds(tbase, LANES)], b_sales.at[pl.ds(0, LANES)])
    pltpu.sync_copy(sp_h.at[pl.ds(tbase, LANES)], b_sp.at[pl.ds(0, LANES)])
    pltpu.sync_copy(iidx_h.at[pl.ds(tbase, LANES)], b_ii.at[pl.ds(0, LANES)])
    pltpu.sync_copy(widx_h.at[pl.ds(tbase, LANES)], b_wi.at[pl.ds(0, LANES)])
    tll = ll_vec(b_sales[pl.ds(0, LANES)], b_sp[pl.ds(0, LANES)],
                 b_ii[pl.ds(0, LANES)], b_wi[pl.ds(0, LANES)])
    acc = acc + tll * jnp.where(in_tail, 1.0, 0.0)

    acc_v[...] = acc
    pltpu.sync_copy(acc_v, out_h.at[pl.ds(wid * LANES, LANES)])


_launch = pl.kernel(
    _sc_body,
    out_type=jax.ShapeDtypeStruct((NW * LANES,), jnp.float32),
    mesh=plsc.VectorSubcoreMesh(core_axis_name="c", subcore_axis_name="s"),
    compiler_params=pltpu.CompilerParams(needs_layout_passes=False),
    scratch_types=[
        pltpu.VMEM((Z_PAD,), jnp.float32),
        pltpu.VMEM((2 * CHUNK,), jnp.int32),
        pltpu.VMEM((2 * CHUNK,), jnp.float32),
        pltpu.VMEM((2 * CHUNK,), jnp.int32),
        pltpu.VMEM((2 * CHUNK,), jnp.int32),
        pltpu.VMEM((3 * LANES,), jnp.float32),
        pltpu.VMEM((2 * LANES,), jnp.float32),
        pltpu.VMEM((2 * LANES,), jnp.float32),
        pltpu.VMEM((LANES,), jnp.float32),
        pltpu.VMEM((LANES,), jnp.float32),
        pltpu.SemaphoreType.DMA,
    ],
)


def kernel(sales, sell_price, item_year_month_idx, wday_idx, beta, log_phi,
           item_year_month_z, wday, log_item_year_month_scale):
    f32 = jnp.float32
    phi = jnp.exp(log_phi)
    scale = jnp.exp(log_item_year_month_scale)
    ar = jnp.arange(2 * LANES, dtype=f32)
    ctab = (gammaln(ar + phi) - gammaln(phi) - gammaln(ar + 1.0)
            + phi * jnp.log(phi)).astype(f32)
    scal = jnp.concatenate([jnp.full((LANES,), beta, f32),
                            jnp.full((LANES,), phi, f32),
                            jnp.full((LANES,), scale, f32)])
    wday16 = jnp.concatenate([wday.astype(f32),
                              jnp.zeros((LANES - wday.shape[0],), f32)])
    yptab = ((ar + phi) * LN2).astype(f32)
    partials = _launch(sales, sell_price, item_year_month_idx, wday_idx,
                       item_year_month_z.astype(f32), scal, ctab, yptab,
                       wday16)
    n_prior = N_IYM + 3 + wday.shape[0]
    prior_const = (-0.5 * LOG2PI * n_prior
                   - 0.5 * (beta * beta + log_phi * log_phi
                            + log_item_year_month_scale * log_item_year_month_scale
                            + jnp.sum(wday * wday)))
    return (prior_const + jnp.sum(partials)).astype(f32)

# --- scband reference (transcript-rebuilt; emitter-appended) ---
"""Pipeline reference for scband-model1-33612414059086 (READ-ONLY COPY).

The authoritative reference and input builder live on the scoring server;
editing this copy changes nothing except your own understanding.
"""

import jax, jax.numpy as jnp
import numpy as np
from jax.scipy.special import gammaln
from jax.scipy.stats import norm

N_OBS = 2000000
N_IYM = 100000
N_WDAY = 7


def negative_binomial_log(y, eta, phi):
    # NB2 log-pmf with log-mean eta and dispersion phi
    y = y.astype(jnp.float32)
    m = jnp.exp(eta)
    return (gammaln(y + phi) - gammaln(phi) - gammaln(y + 1.0)
            + phi * jnp.log(phi / (phi + m))
            + y * jnp.log(m / (phi + m)))


def setup_inputs(seed: int = 0) -> dict:
    key = jax.random.key(seed)
    ks = jax.random.split(key, 9)
    return {
        "sales": jax.random.randint(ks[0], (N_OBS,), 0, 30, dtype=jnp.int32),
        "sell_price": jax.random.uniform(ks[1], (N_OBS,), dtype=jnp.float32),
        "item_year_month_idx": jax.random.randint(ks[2], (N_OBS,), 0, N_IYM, dtype=jnp.int32),
        "wday_idx": jax.random.randint(ks[3], (N_OBS,), 0, N_WDAY, dtype=jnp.int32),
        "beta": jax.random.normal(ks[4], (), dtype=jnp.float32),
        "log_phi": jax.random.normal(ks[5], (), dtype=jnp.float32),
        "item_year_month_z": jax.random.normal(ks[6], (N_IYM,), dtype=jnp.float32),
        "wday": jax.random.normal(ks[7], (N_WDAY,), dtype=jnp.float32),
        "log_item_year_month_scale": jax.random.normal(ks[8], (), dtype=jnp.float32),
    }


def reference(sales, sell_price, item_year_month_idx, wday_idx, beta, log_phi,
              item_year_month_z, wday, log_item_year_month_scale):
    item_year_month_scale = jnp.exp(log_item_year_month_scale)
    item_year_month = item_year_month_z * item_year_month_scale
    phi = jnp.exp(log_phi)
    log_sum_priors = (jnp.sum(norm.logpdf(beta, 0.0, 1.0))
                      + jnp.sum(norm.logpdf(log_phi, 0.0, 1.0))
                      + jnp.sum(norm.logpdf(item_year_month_z, 0.0, 1.0))
                      + jnp.sum(norm.logpdf(wday, 0.0, 1.0))
                      + jnp.sum(norm.logpdf(log_item_year_month_scale, 0.0, 1.0)))
    # mapper: gather the per-observation random effects by index (embedding lookup)
    iym_gathered = jnp.take(item_year_month, item_year_month_idx, axis=0)
    wday_gathered = jnp.take(wday, wday_idx, axis=0)
    mu = beta * sell_price + iym_gathered + wday_gathered
    log_likelihood = negative_binomial_log(sales, mu, phi)
    return log_sum_priors + jnp.sum(log_likelihood)

if __name__ == "__main__":
    import jax
    _d = setup_inputs()
    print(jax.jit(kernel)(*tuple(_d.values())))

</pallas_src>

<mosaic_0001>
#map = affine_map<(d0, d1) -> (0)>
module attributes {stable_mosaic.version = 14 : i64} {
  func.func @_sc_body(%arg0: i32, %arg1: i32, %arg2: memref<2000000xi32, #tpu.memory_space<hbm>>, %arg3: memref<2000000xf32, #tpu.memory_space<hbm>>, %arg4: memref<2000000xi32, #tpu.memory_space<hbm>>, %arg5: memref<2000000xi32, #tpu.memory_space<hbm>>, %arg6: memref<100000xf32, #tpu.memory_space<hbm>>, %arg7: memref<48xf32, #tpu.memory_space<hbm>>, %arg8: memref<32xf32, #tpu.memory_space<hbm>>, %arg9: memref<32xf32, #tpu.memory_space<hbm>>, %arg10: memref<16xf32, #tpu.memory_space<hbm>>, %arg11: memref<512xf32, #tpu.memory_space<hbm>>, %arg12: memref<100352xf32, #tpu.memory_space<vmem>>, %arg13: memref<6944xi32, #tpu.memory_space<vmem>>, %arg14: memref<6944xf32, #tpu.memory_space<vmem>>, %arg15: memref<6944xi32, #tpu.memory_space<vmem>>, %arg16: memref<6944xi32, #tpu.memory_space<vmem>>, %arg17: memref<48xf32, #tpu.memory_space<vmem>>, %arg18: memref<32xf32, #tpu.memory_space<vmem>>, %arg19: memref<32xf32, #tpu.memory_space<vmem>>, %arg20: memref<16xf32, #tpu.memory_space<vmem>>, %arg21: memref<16xf32, #tpu.memory_space<vmem>>, %arg22: memref<!tpu.dma_semaphore, #tpu.memory_space<semaphore_mem>>) attributes {dimension_semantics = [#tpu.dimension_semantics<core_parallel>, #tpu.dimension_semantics<subcore_parallel>], iteration_bounds = array<i64: 2, 16>, scalar_prefetch = 0 : i64, scratch_operands = 11 : i64, tpu.core_type = #tpu.core_type<sc_vector_subcore>, window_params = [{transform_indices = #map}, {transform_indices = #map}, {transform_indices = #map}, {transform_indices = #map}, {transform_indices = #map}, {transform_indices = #map}, {transform_indices = #map}, {transform_indices = #map}, {transform_indices = #map}, {transform_indices = #map}]} {
    %mul3A = arith.constant 2 : i32
    %mul3A_0 = arith.muli %arg1, %mul3A : i32
    %add3A = arith.addi %mul3A_0, %arg0 : i32
    %mul3A_1 = arith.constant 62496 : i32
    %mul3A_2 = arith.muli %add3A, %mul3A_1 : i32
    %add3A_3 = arith.constant 0 : i32
    %add3A_4 = arith.addi %mul3A_2, %add3A_3 : i32
    %dma_start3A = arith.constant 0 : i32
    %dma_start3A_5 = tpu.memref_slice %arg13[%dma_start3A] : memref<6944xi32, #tpu.memory_space<vmem>> -> memref<3472xi32, #tpu.memory_space<vmem>>
    %dma_start3A_6 = tpu.memref_slice %arg2[%add3A_4] : memref<2000000xi32, #tpu.memory_space<hbm>> -> memref<3472xi32, #tpu.memory_space<hbm>>
    %dma_start3A_7 = arith.constant 0 : i32
    %dma_start3A_8 = tpu.memref_slice %arg13[%dma_start3A_7] : memref<6944xi32, #tpu.memory_space<vmem>> -> memref<3472xi32, #tpu.memory_space<vmem>>
    %dma_start3A_9 = tpu.memref_slice %arg2[%add3A_4] : memref<2000000xi32, #tpu.memory_space<hbm>> -> memref<3472xi32, #tpu.memory_space<hbm>>
    tpu.enqueue_dma source(%dma_start3A_9 : memref<3472xi32, #tpu.memory_space<hbm>>) target(%dma_start3A_8 : memref<3472xi32, #tpu.memory_space<vmem>>) target_semaphore(%arg22 : memref<!tpu.dma_semaphore, #tpu.memory_space<semaphore_mem>>)
    %dma_start3A_10 = arith.constant 0 : i32
    %dma_start3A_11 = tpu.memref_slice %arg14[%dma_start3A_10] : memref<6944xf32, #tpu.memory_space<vmem>> -> memref<3472xf32, #tpu.memory_space<vmem>>
    %dma_start3A_12 = tpu.memref_slice %arg3[%add3A_4] : memref<2000000xf32, #tpu.memory_space<hbm>> -> memref<3472xf32, #tpu.memory_space<hbm>>
    %dma_start3A_13 = arith.constant 0 : i32
    %dma_start3A_14 = tpu.memref_slice %arg14[%dma_start3A_13] : memref<6944xf32, #tpu.memory_space<vmem>> -> memref<3472xf32, #tpu.memory_space<vmem>>
    %dma_start3A_15 = tpu.memref_slice %arg3[%add3A_4] : memref<2000000xf32, #tpu.memory_space<hbm>> -> memref<3472xf32, #tpu.memory_space<hbm>>
    tpu.enqueue_dma source(%dma_start3A_15 : memref<3472xf32, #tpu.memory_space<hbm>>) target(%dma_start3A_14 : memref<3472xf32, #tpu.memory_space<vmem>>) target_semaphore(%arg22 : memref<!tpu.dma_semaphore, #tpu.memory_space<semaphore_mem>>)
    %dma_start3A_16 = arith.constant 0 : i32
    %dma_start3A_17 = tpu.memref_slice %arg15[%dma_start3A_16] : memref<6944xi32, #tpu.memory_space<vmem>> -> memref<3472xi32, #tpu.memory_space<vmem>>
    %dma_start3A_18 = tpu.memref_slice %arg4[%add3A_4] : memref<2000000xi32, #tpu.memory_space<hbm>> -> memref<3472xi32, #tpu.memory_space<hbm>>
    %dma_start3A_19 = arith.constant 0 : i32
    %dma_start3A_20 = tpu.memref_slice %arg15[%dma_start3A_19] : memref<6944xi32, #tpu.memory_space<vmem>> -> memref<3472xi32, #tpu.memory_space<vmem>>
    %dma_start3A_21 = tpu.memref_slice %arg4[%add3A_4] : memref<2000000xi32, #tpu.memory_space<hbm>> -> memref<3472xi32, #tpu.memory_space<hbm>>
    tpu.enqueue_dma source(%dma_start3A_21 : memref<3472xi32, #tpu.memory_space<hbm>>) target(%dma_start3A_20 : memref<3472xi32, #tpu.memory_space<vmem>>) target_semaphore(%arg22 : memref<!tpu.dma_semaphore, #tpu.memory_space<semaphore_mem>>)
    %dma_start3A_22 = arith.constant 0 : i32
    %dma_start3A_23 = tpu.memref_slice %arg16[%dma_start3A_22] : memref<6944xi32, #tpu.memory_space<vmem>> -> memref<3472xi32, #tpu.memory_space<vmem>>
    %dma_start3A_24 = tpu.memref_slice %arg5[%add3A_4] : memref<2000000xi32, #tpu.memory_space<hbm>> -> memref<3472xi32, #tpu.memory_space<hbm>>
    %dma_start3A_25 = arith.constant 0 : i32
    %dma_start3A_26 = tpu.memref_slice %arg16[%dma_start3A_25] : memref<6944xi32, #tpu.memory_space<vmem>> -> memref<3472xi32, #tpu.memory_space<vmem>>
    %dma_start3A_27 = tpu.memref_slice %arg5[%add3A_4] : memref<2000000xi32, #tpu.memory_space<hbm>> -> memref<3472xi32, #tpu.memory_space<hbm>>
    tpu.enqueue_dma source(%dma_start3A_27 : memref<3472xi32, #tpu.memory_space<hbm>>) target(%dma_start3A_26 : memref<3472xi32, #tpu.memory_space<vmem>>) target_semaphore(%arg22 : memref<!tpu.dma_semaphore, #tpu.memory_space<semaphore_mem>>)
    "tpu.region"() ({
      %run_scoped3A = tpu.sem_alloc : memref<!tpu.dma_semaphore, #tpu.memory_space<semaphore_mem>>
      %dma_start3A_144 = arith.constant 0 : i32
      %dma_start3A_145 = tpu.memref_slice %arg12[%dma_start3A_144] : memref<100352xf32, #tpu.memory_space<vmem>> -> memref<100000xf32, #tpu.memory_space<vmem>>
      %dma_start3A_146 = arith.constant 0 : i32
      %dma_start3A_147 = tpu.memref_slice %arg12[%dma_start3A_146] : memref<100352xf32, #tpu.memory_space<vmem>> -> memref<100000xf32, #tpu.memory_space<vmem>>
      tpu.enqueue_dma source(%arg6 : memref<100000xf32, #tpu.memory_space<hbm>>) target(%dma_start3A_147 : memref<100000xf32, #tpu.memory_space<vmem>>) target_semaphore(%run_scoped3A : memref<!tpu.dma_semaphore, #tpu.memory_space<semaphore_mem>>)
      %dma_wait3A = arith.constant 0 : i32
      %dma_wait3A_148 = tpu.memref_slice %arg12[%dma_wait3A] : memref<100352xf32, #tpu.memory_space<vmem>> -> memref<100000xf32, #tpu.memory_space<vmem>>
      %dma_wait3A_149 = arith.constant 0 : i32
      %dma_wait3A_150 = tpu.memref_slice %arg12[%dma_wait3A_149] : memref<100352xf32, #tpu.memory_space<vmem>> -> memref<100000xf32, #tpu.memory_space<vmem>>
      tpu.wait_dma2 semaphore(%run_scoped3A : memref<!tpu.dma_semaphore, #tpu.memory_space<semaphore_mem>>) src(%arg6 : memref<100000xf32, #tpu.memory_space<hbm>>) dst(%dma_wait3A_150 : memref<100000xf32, #tpu.memory_space<vmem>>)
      tpu.yield
    }) : () -> ()
    %broadcast_in_dim3A = arith.constant 0.000000e+00 : f32
    %broadcast_in_dim3A_28 = vector.broadcast %broadcast_in_dim3A : f32 to vector<16xf32>
    %swap3A = arith.constant 100000 : index
    %swap3A_29 = tpu.vector_load %arg12[%swap3A] {strides = array<i32>} : memref<100352xf32, #tpu.memory_space<vmem>>, vector<16xf32>,
    tpu.vector_store %arg12[%swap3A], %broadcast_in_dim3A_28 {strides = array<i32>} : memref<100352xf32, #tpu.memory_space<vmem>>, vector<16xf32>,
    %swap3A_30 = arith.constant 100016 : index
    %swap3A_31 = tpu.vector_load %arg12[%swap3A_30] {strides = array<i32>} : memref<100352xf32, #tpu.memory_space<vmem>>, vector<16xf32>,
    tpu.vector_store %arg12[%swap3A_30], %broadcast_in_dim3A_28 {strides = array<i32>} : memref<100352xf32, #tpu.memory_space<vmem>>, vector<16xf32>,
    %swap3A_32 = arith.constant 100032 : index
    %swap3A_33 = tpu.vector_load %arg12[%swap3A_32] {strides = array<i32>} : memref<100352xf32, #tpu.memory_space<vmem>>, vector<16xf32>,
    tpu.vector_store %arg12[%swap3A_32], %broadcast_in_dim3A_28 {strides = array<i32>} : memref<100352xf32, #tpu.memory_space<vmem>>, vector<16xf32>,
    %swap3A_34 = arith.constant 100048 : index
    %swap3A_35 = tpu.vector_load %arg12[%swap3A_34] {strides = array<i32>} : memref<100352xf32, #tpu.memory_space<vmem>>, vector<16xf32>,
    tpu.vector_store %arg12[%swap3A_34], %broadcast_in_dim3A_28 {strides = array<i32>} : memref<100352xf32, #tpu.memory_space<vmem>>, vector<16xf32>,
    %swap3A_36 = arith.constant 100064 : index
    %swap3A_37 = tpu.vector_load %arg12[%swap3A_36] {strides = array<i32>} : memref<100352xf32, #tpu.memory_space<vmem>>, vector<16xf32>,
    tpu.vector_store %arg12[%swap3A_36], %broadcast_in_dim3A_28 {strides = array<i32>} : memref<100352xf32, #tpu.memory_space<vmem>>, vector<16xf32>,
    %swap3A_38 = arith.constant 100080 : index
    %swap3A_39 = tpu.vector_load %arg12[%swap3A_38] {strides = array<i32>} : memref<100352xf32, #tpu.memory_space<vmem>>, vector<16xf32>,
    tpu.vector_store %arg12[%swap3A_38], %broadcast_in_dim3A_28 {strides = array<i32>} : memref<100352xf32, #tpu.memory_space<vmem>>, vector<16xf32>,
    %swap3A_40 = arith.constant 100096 : index
    %swap3A_41 = tpu.vector_load %arg12[%swap3A_40] {strides = array<i32>} : memref<100352xf32, #tpu.memory_space<vmem>>, vector<16xf32>,
    tpu.vector_store %arg12[%swap3A_40], %broadcast_in_dim3A_28 {strides = array<i32>} : memref<100352xf32, #tpu.memory_space<vmem>>, vector<16xf32>,
    %swap3A_42 = arith.constant 100112 : index
    %swap3A_43 = tpu.vector_load %arg12[%swap3A_42] {strides = array<i32>} : memref<100352xf32, #tpu.memory_space<vmem>>, vector<16xf32>,
    tpu.vector_store %arg12[%swap3A_42], %broadcast_in_dim3A_28 {strides = array<i32>} : memref<100352xf32, #tpu.memory_space<vmem>>, vector<16xf32>,
    %swap3A_44 = arith.constant 100128 : index
    %swap3A_45 = tpu.vector_load %arg12[%swap3A_44] {strides = array<i32>} : memref<100352xf32, #tpu.memory_space<vmem>>, vector<16xf32>,
    tpu.vector_store %arg12[%swap3A_44], %broadcast_in_dim3A_28 {strides = array<i32>} : memref<100352xf32, #tpu.memory_space<vmem>>, vector<16xf32>,
    %swap3A_46 = arith.constant 100144 : index
    %swap3A_47 = tpu.vector_load %arg12[%swap3A_46] {strides = array<i32>} : memref<100352xf32, #tpu.memory_space<vmem>>, vector<16xf32>,
    tpu.vector_store %arg12[%swap3A_46], %broadcast_in_dim3A_28 {strides = array<i32>} : memref<100352xf32, #tpu.memory_space<vmem>>, vector<16xf32>,
    %swap3A_48 = arith.constant 100160 : index
    %swap3A_49 = tpu.vector_load %arg12[%swap3A_48] {strides = array<i32>} : memref<100352xf32, #tpu.memory_space<vmem>>, vector<16xf32>,
    tpu.vector_store %arg12[%swap3A_48], %broadcast_in_dim3A_28 {strides = array<i32>} : memref<100352xf32, #tpu.memory_space<vmem>>, vector<16xf32>,
    %swap3A_50 = arith.constant 100176 : index
    %swap3A_51 = tpu.vector_load %arg12[%swap3A_50] {strides = array<i32>} : memref<100352xf32, #tpu.memory_space<vmem>>, vector<16xf32>,
    tpu.vector_store %arg12[%swap3A_50], %broadcast_in_dim3A_28 {strides = array<i32>} : memref<100352xf32, #tpu.memory_space<vmem>>, vector<16xf32>,
    %swap3A_52 = arith.constant 100192 : index
    %swap3A_53 = tpu.vector_load %arg12[%swap3A_52] {strides = array<i32>} : memref<100352xf32, #tpu.memory_space<vmem>>, vector<16xf32>,
    tpu.vector_store %arg12[%swap3A_52], %broadcast_in_dim3A_28 {strides = array<i32>} : memref<100352xf32, #tpu.memory_space<vmem>>, vector<16xf32>,
    %swap3A_54 = arith.constant 100208 : index
    %swap3A_55 = tpu.vector_load %arg12[%swap3A_54] {strides = array<i32>} : memref<100352xf32, #tpu.memory_space<vmem>>, vector<16xf32>,
    tpu.vector_store %arg12[%swap3A_54], %broadcast_in_dim3A_28 {strides = array<i32>} : memref<100352xf32, #tpu.memory_space<vmem>>, vector<16xf32>,
    %swap3A_56 = arith.constant 100224 : index
    %swap3A_57 = tpu.vector_load %arg12[%swap3A_56] {strides = array<i32>} : memref<100352xf32, #tpu.memory_space<vmem>>, vector<16xf32>,
    tpu.vector_store %arg12[%swap3A_56], %broadcast_in_dim3A_28 {strides = array<i32>} : memref<100352xf32, #tpu.memory_space<vmem>>, vector<16xf32>,
    %swap3A_58 = arith.constant 100240 : index
    %swap3A_59 = tpu.vector_load %arg12[%swap3A_58] {strides = array<i32>} : memref<100352xf32, #tpu.memory_space<vmem>>, vector<16xf32>,
    tpu.vector_store %arg12[%swap3A_58], %broadcast_in_dim3A_28 {strides = array<i32>} : memref<100352xf32, #tpu.memory_space<vmem>>, vector<16xf32>,
    %swap3A_60 = arith.constant 100256 : index
    %swap3A_61 = tpu.vector_load %arg12[%swap3A_60] {strides = array<i32>} : memref<100352xf32, #tpu.memory_space<vmem>>, vector<16xf32>,
    tpu.vector_store %arg12[%swap3A_60], %broadcast_in_dim3A_28 {strides = array<i32>} : memref<100352xf32, #tpu.memory_space<vmem>>, vector<16xf32>,
    %swap3A_62 = arith.constant 100272 : index
    %swap3A_63 = tpu.vector_load %arg12[%swap3A_62] {strides = array<i32>} : memref<100352xf32, #tpu.memory_space<vmem>>, vector<16xf32>,
    tpu.vector_store %arg12[%swap3A_62], %broadcast_in_dim3A_28 {strides = array<i32>} : memref<100352xf32, #tpu.memory_space<vmem>>, vector<16xf32>,
    %swap3A_64 = arith.constant 100288 : index
    %swap3A_65 = tpu.vector_load %arg12[%swap3A_64] {strides = array<i32>} : memref<100352xf32, #tpu.memory_space<vmem>>, vector<16xf32>,
    tpu.vector_store %arg12[%swap3A_64], %broadcast_in_dim3A_28 {strides = array<i32>} : memref<100352xf32, #tpu.memory_space<vmem>>, vector<16xf32>,
    %swap3A_66 = arith.constant 100304 : index
    %swap3A_67 = tpu.vector_load %arg12[%swap3A_66] {strides = array<i32>} : memref<100352xf32, #tpu.memory_space<vmem>>, vector<16xf32>,
    tpu.vector_store %arg12[%swap3A_66], %broadcast_in_dim3A_28 {strides = array<i32>} : memref<100352xf32, #tpu.memory_space<vmem>>, vector<16xf32>,
    %swap3A_68 = arith.constant 100320 : index
    %swap3A_69 = tpu.vector_load %arg12[%swap3A_68] {strides = array<i32>} : memref<100352xf32, #tpu.memory_space<vmem>>, vector<16xf32>,
    tpu.vector_store %arg12[%swap3A_68], %broadcast_in_dim3A_28 {strides = array<i32>} : memref<100352xf32, #tpu.memory_space<vmem>>, vector<16xf32>,
    %swap3A_70 = arith.constant 100336 : index
    %swap3A_71 = tpu.vector_load %arg12[%swap3A_70] {strides = array<i32>} : memref<100352xf32, #tpu.memory_space<vmem>>, vector<16xf32>,
    tpu.vector_store %arg12[%swap3A_70], %broadcast_in_dim3A_28 {strides = array<i32>} : memref<100352xf32, #tpu.memory_space<vmem>>, vector<16xf32>,
    "tpu.region"() ({
      %run_scoped3A = tpu.sem_alloc : memref<!tpu.dma_semaphore, #tpu.memory_space<semaphore_mem>>
      tpu.enqueue_dma source(%arg7 : memref<48xf32, #tpu.memory_space<hbm>>) target(%arg17 : memref<48xf32, #tpu.memory_space<vmem>>) target_semaphore(%run_scoped3A : memref<!tpu.dma_semaphore, #tpu.memory_space<semaphore_mem>>)
      tpu.wait_dma2 semaphore(%run_scoped3A : memref<!tpu.dma_semaphore, #tpu.memory_space<semaphore_mem>>) src(%arg7 : memref<48xf32, #tpu.memory_space<hbm>>) dst(%arg17 : memref<48xf32, #tpu.memory_space<vmem>>)
      tpu.yield
    }) : () -> ()
    "tpu.region"() ({
      %run_scoped3A = tpu.sem_alloc : memref<!tpu.dma_semaphore, #tpu.memory_space<semaphore_mem>>
      tpu.enqueue_dma source(%arg8 : memref<32xf32, #tpu.memory_space<hbm>>) target(%arg18 : memref<32xf32, #tpu.memory_space<vmem>>) target_semaphore(%run_scoped3A : memref<!tpu.dma_semaphore, #tpu.memory_space<semaphore_mem>>)
      tpu.wait_dma2 semaphore(%run_scoped3A : memref<!tpu.dma_semaphore, #tpu.memory_space<semaphore_mem>>) src(%arg8 : memref<32xf32, #tpu.memory_space<hbm>>) dst(%arg18 : memref<32xf32, #tpu.memory_space<vmem>>)
      tpu.yield
    }) : () -> ()
    "tpu.region"() ({
      %run_scoped3A = tpu.sem_alloc : memref<!tpu.dma_semaphore, #tpu.memory_space<semaphore_mem>>
      tpu.enqueue_dma source(%arg9 : memref<32xf32, #tpu.memory_space<hbm>>) target(%arg19 : memref<32xf32, #tpu.memory_space<vmem>>) target_semaphore(%run_scoped3A : memref<!tpu.dma_semaphore, #tpu.memory_space<semaphore_mem>>)
      tpu.wait_dma2 semaphore(%run_scoped3A : memref<!tpu.dma_semaphore, #tpu.memory_space<semaphore_mem>>) src(%arg9 : memref<32xf32, #tpu.memory_space<hbm>>) dst(%arg19 : memref<32xf32, #tpu.memory_space<vmem>>)
      tpu.yield
    }) : () -> ()
    "tpu.region"() ({
      %run_scoped3A = tpu.sem_alloc : memref<!tpu.dma_semaphore, #tpu.memory_space<semaphore_mem>>
      tpu.enqueue_dma source(%arg10 : memref<16xf32, #tpu.memory_space<hbm>>) target(%arg20 : memref<16xf32, #tpu.memory_space<vmem>>) target_semaphore(%run_scoped3A : memref<!tpu.dma_semaphore, #tpu.memory_space<semaphore_mem>>)
      tpu.wait_dma2 semaphore(%run_scoped3A : memref<!tpu.dma_semaphore, #tpu.memory_space<semaphore_mem>>) src(%arg10 : memref<16xf32, #tpu.memory_space<hbm>>) dst(%arg20 : memref<16xf32, #tpu.memory_space<vmem>>)
      tpu.yield
    }) : () -> ()
    %get3A = arith.constant 0 : index
    %get3A_72 = tpu.vector_load %arg17[%get3A] {strides = array<i32>} : memref<48xf32, #tpu.memory_space<vmem>>, vector<16xf32>,
    %get3A_73 = arith.constant 16 : index
    %get3A_74 = tpu.vector_load %arg17[%get3A_73] {strides = array<i32>} : memref<48xf32, #tpu.memory_space<vmem>>, vector<16xf32>,
    %get3A_75 = arith.constant 32 : index
    %get3A_76 = tpu.vector_load %arg17[%get3A_75] {strides = array<i32>} : memref<48xf32, #tpu.memory_space<vmem>>, vector<16xf32>,
    %broadcast_in_dim3A_77 = arith.constant 0.000000e+00 : f32
    %broadcast_in_dim3A_78 = vector.broadcast %broadcast_in_dim3A_77 : f32 to vector<16xf32>
    %scan3A = arith.constant 0 : i32
    %scan3A_79 = arith.constant 196 : i32
    %scan3A_80 = arith.addi %scan3A, %scan3A_79 : i32
    %scan3A_81 = arith.constant 1 : i32
    %scan3A_82 = scf.for %scan3A_144 = %scan3A to %scan3A_80 step %scan3A_81 iter_args(%scan3A_145 = %broadcast_in_dim3A_78) -> (vector<16xf32>)  : i32 {
      %mul3A_146 = arith.constant 32 : i32
      %mul3A_147 = arith.muli %mul3A_146, %scan3A_144 : i32
      %add3A_148 = arith.addi %add3A, %mul3A_147 : i32
      %mul3A_149 = arith.constant 16 : i32
      %mul3A_150 = arith.muli %add3A_148, %mul3A_149 : i32
      %get3A_151 = arith.index_cast %mul3A_150 : i32 to index
      %get3A_152 = tpu.vector_load %arg12[%get3A_151] {strides = array<i32>} : memref<100352xf32, #tpu.memory_space<vmem>>, vector<16xf32>,
      %mul3A_153 = arith.constant 5.000000e-01 : f32
      %mul3A_154 = vector.broadcast %mul3A_153 : f32 to vector<16xf32>
      %mul3A_155 = arith.mulf %mul3A_154, %get3A_152 : vector<16xf32>
      %mul3A_156 = arith.mulf %mul3A_155, %get3A_152 : vector<16xf32>
      %sub3A_157 = arith.subf %scan3A_145, %mul3A_156 : vector<16xf32>
      scf.yield %sub3A_157 : vector<16xf32>
    }
    %scan3A_83 = arith.constant 196 : i32
    %scan3A_84 = arith.constant 0 : i32
    %scan3A_85 = arith.constant 18 : i32
    %scan3A_86 = arith.addi %scan3A_84, %scan3A_85 : i32
    %scan3A_87 = arith.constant 1 : i32
    %scan3A_88 = scf.for %scan3A_144 = %scan3A_84 to %scan3A_86 step %scan3A_87 iter_args(%scan3A_145 = %scan3A_82) -> (vector<16xf32>)  : i32 {
      %and3A = arith.constant 1 : i32
      %and3A_146 = arith.andi %scan3A_144, %and3A : i32
      %mul3A_147 = arith.constant 3472 : i32
      %mul3A_148 = arith.muli %and3A_146, %mul3A_147 : i32
      %dma_wait3A = arith.constant 0 : i32
      %dma_wait3A_149 = tpu.memref_slice %arg12[%dma_wait3A] : memref<100352xf32, #tpu.memory_space<vmem>> -> memref<13888xf32, #tpu.memory_space<vmem>>
      %dma_wait3A_150 = arith.constant 0 : i32
      %dma_wait3A_151 = tpu.memref_slice %arg6[%dma_wait3A_150] : memref<100000xf32, #tpu.memory_space<hbm>> -> memref<13888xf32, #tpu.memory_space<hbm>>
      %dma_wait3A_152 = arith.constant 0 : i32
      %dma_wait3A_153 = tpu.memref_slice %arg12[%dma_wait3A_152] : memref<100352xf32, #tpu.memory_space<vmem>> -> memref<13888xf32, #tpu.memory_space<vmem>>
      %dma_wait3A_154 = arith.constant 0 : i32
      %dma_wait3A_155 = tpu.memref_slice %arg6[%dma_wait3A_154] : memref<100000xf32, #tpu.memory_space<hbm>> -> memref<13888xf32, #tpu.memory_space<hbm>>
      tpu.wait_dma2 semaphore(%arg22 : memref<!tpu.dma_semaphore, #tpu.memory_space<semaphore_mem>>) src(%dma_wait3A_155 : memref<13888xf32, #tpu.memory_space<hbm>>) dst(%dma_wait3A_153 : memref<13888xf32, #tpu.memory_space<vmem>>)
      %lt3A_156 = arith.constant 17 : i32
      %lt3A_157 = arith.cmpi slt, %scan3A_144, %lt3A_156 : i32
      %convert_element_type3A_158 = arith.extui %lt3A_157 : i1 to i32
      %cond3A = arith.constant 0 : i32
      %cond3A_159 = arith.cmpi ne, %convert_element_type3A_158, %cond3A : i32
      scf.if %cond3A_159 {
        %add3A_163 = arith.constant 1 : i32
        %add3A_164 = arith.addi %scan3A_144, %add3A_163 : i32
        %sub3A_165 = arith.constant 3472 : i32
        %sub3A_166 = arith.subi %sub3A_165, %mul3A_148 : i32
        %mul3A_167 = arith.constant 62496 : i32
        %mul3A_168 = arith.muli %add3A, %mul3A_167 : i32
        %mul3A_169 = arith.constant 3472 : i32
        %mul3A_170 = arith.muli %add3A_164, %mul3A_169 : i32
        %add3A_171 = arith.addi %mul3A_168, %mul3A_170 : i32
        %dma_start3A_172 = tpu.memref_slice %arg13[%sub3A_166] : memref<6944xi32, #tpu.memory_space<vmem>> -> memref<3472xi32, #tpu.memory_space<vmem>>
        %dma_start3A_173 = tpu.memref_slice %arg2[%add3A_171] : memref<2000000xi32, #tpu.memory_space<hbm>> -> memref<3472xi32, #tpu.memory_space<hbm>>
        %dma_start3A_174 = tpu.memref_slice %arg13[%sub3A_166] : memref<6944xi32, #tpu.memory_space<vmem>> -> memref<3472xi32, #tpu.memory_space<vmem>>
        %dma_start3A_175 = tpu.memref_slice %arg2[%add3A_171] : memref<2000000xi32, #tpu.memory_space<hbm>> -> memref<3472xi32, #tpu.memory_space<hbm>>
        tpu.enqueue_dma source(%dma_start3A_175 : memref<3472xi32, #tpu.memory_space<hbm>>) target(%dma_start3A_174 : memref<3472xi32, #tpu.memory_space<vmem>>) target_semaphore(%arg22 : memref<!tpu.dma_semaphore, #tpu.memory_space<semaphore_mem>>)
        %dma_start3A_176 = tpu.memref_slice %arg14[%sub3A_166] : memref<6944xf32, #tpu.memory_space<vmem>> -> memref<3472xf32, #tpu.memory_space<vmem>>
        %dma_start3A_177 = tpu.memref_slice %arg3[%add3A_171] : memref<2000000xf32, #tpu.memory_space<hbm>> -> memref<3472xf32, #tpu.memory_space<hbm>>
        %dma_start3A_178 = tpu.memref_slice %arg14[%sub3A_166] : memref<6944xf32, #tpu.memory_space<vmem>> -> memref<3472xf32, #tpu.memory_space<vmem>>
        %dma_start3A_179 = tpu.memref_slice %arg3[%add3A_171] : memref<2000000xf32, #tpu.memory_space<hbm>> -> memref<3472xf32, #tpu.memory_space<hbm>>
        tpu.enqueue_dma source(%dma_start3A_179 : memref<3472xf32, #tpu.memory_space<hbm>>) target(%dma_start3A_178 : memref<3472xf32, #tpu.memory_space<vmem>>) target_semaphore(%arg22 : memref<!tpu.dma_semaphore, #tpu.memory_space<semaphore_mem>>)
        %dma_start3A_180 = tpu.memref_slice %arg15[%sub3A_166] : memref<6944xi32, #tpu.memory_space<vmem>> -> memref<3472xi32, #tpu.memory_space<vmem>>
        %dma_start3A_181 = tpu.memref_slice %arg4[%add3A_171] : memref<2000000xi32, #tpu.memory_space<hbm>> -> memref<3472xi32, #tpu.memory_space<hbm>>
        %dma_start3A_182 = tpu.memref_slice %arg15[%sub3A_166] : memref<6944xi32, #tpu.memory_space<vmem>> -> memref<3472xi32, #tpu.memory_space<vmem>>
        %dma_start3A_183 = tpu.memref_slice %arg4[%add3A_171] : memref<2000000xi32, #tpu.memory_space<hbm>> -> memref<3472xi32, #tpu.memory_space<hbm>>
        tpu.enqueue_dma source(%dma_start3A_183 : memref<3472xi32, #tpu.memory_space<hbm>>) target(%dma_start3A_182 : memref<3472xi32, #tpu.memory_space<vmem>>) target_semaphore(%arg22 : memref<!tpu.dma_semaphore, #tpu.memory_space<semaphore_mem>>)
        %dma_start3A_184 = tpu.memref_slice %arg16[%sub3A_166] : memref<6944xi32, #tpu.memory_space<vmem>> -> memref<3472xi32, #tpu.memory_space<vmem>>
        %dma_start3A_185 = tpu.memref_slice %arg5[%add3A_171] : memref<2000000xi32, #tpu.memory_space<hbm>> -> memref<3472xi32, #tpu.memory_space<hbm>>
        %dma_start3A_186 = tpu.memref_slice %arg16[%sub3A_166] : memref<6944xi32, #tpu.memory_space<vmem>> -> memref<3472xi32, #tpu.memory_space<vmem>>
        %dma_start3A_187 = tpu.memref_slice %arg5[%add3A_171] : memref<2000000xi32, #tpu.memory_space<hbm>> -> memref<3472xi32, #tpu.memory_space<hbm>>
        tpu.enqueue_dma source(%dma_start3A_187 : memref<3472xi32, #tpu.memory_space<hbm>>) target(%dma_start3A_186 : memref<3472xi32, #tpu.memory_space<vmem>>) target_semaphore(%arg22 : memref<!tpu.dma_semaphore, #tpu.memory_space<semaphore_mem>>)
      } else {
      }
      %parallel_loop3A = arith.constant 0 : i32
      %parallel_loop3A_160 = arith.constant 217 : i32
      %parallel_loop3A_161 = arith.constant 1 : i32
      %parallel_loop3A_162 = scf.for %parallel_loop3A_163 = %parallel_loop3A to %parallel_loop3A_160 step %parallel_loop3A_161 iter_args(%parallel_loop3A_164 = %scan3A_145) -> (vector<16xf32>)  : i32 {
        %parallel_loop3A_165 = arith.constant 16 : i32
        %parallel_loop3A_166 = arith.muli %parallel_loop3A_163, %parallel_loop3A_165 : i32
        %parallel_loop3A_167 = arith.addi %mul3A_148, %parallel_loop3A_166 : i32
        %parallel_loop3A_168 = arith.index_cast %parallel_loop3A_167 : i32 to index
        %parallel_loop3A_169 = tpu.vector_load %arg13[%parallel_loop3A_168] {strides = array<i32>} : memref<6944xi32, #tpu.memory_space<vmem>>, vector<16xi32>,
        %parallel_loop3A_170 = arith.index_cast %parallel_loop3A_167 : i32 to index
        %parallel_loop3A_171 = tpu.vector_load %arg14[%parallel_loop3A_170] {strides = array<i32>} : memref<6944xf32, #tpu.memory_space<vmem>>, vector<16xf32>,
        %parallel_loop3A_172 = arith.index_cast %parallel_loop3A_167 : i32 to index
        %parallel_loop3A_173 = tpu.vector_load %arg15[%parallel_loop3A_172] {strides = array<i32>} : memref<6944xi32, #tpu.memory_space<vmem>>, vector<16xi32>,
        %parallel_loop3A_174 = arith.index_cast %parallel_loop3A_167 : i32 to index
        %parallel_loop3A_175 = tpu.vector_load %arg16[%parallel_loop3A_174] {strides = array<i32>} : memref<6944xi32, #tpu.memory_space<vmem>>, vector<16xi32>,
        %parallel_loop3A_176 = tpu.vector_load_idx %arg12[%parallel_loop3A_173] : memref<100352xf32, #tpu.memory_space<vmem>>[vector<16xi32>], vector<16xf32>,
        %parallel_loop3A_177 = tpu.vector_load_idx %arg20[%parallel_loop3A_175] : memref<16xf32, #tpu.memory_space<vmem>>[vector<16xi32>], vector<16xf32>,
        %parallel_loop3A_178 = tpu.vector_load_idx %arg18[%parallel_loop3A_169] : memref<32xf32, #tpu.memory_space<vmem>>[vector<16xi32>], vector<16xf32>,
        %parallel_loop3A_179 = tpu.vector_load_idx %arg19[%parallel_loop3A_169] : memref<32xf32, #tpu.memory_space<vmem>>[vector<16xi32>], vector<16xf32>,
        %parallel_loop3A_180 = arith.mulf %get3A_72, %parallel_loop3A_171 : vector<16xf32>
        %parallel_loop3A_181 = arith.mulf %get3A_76, %parallel_loop3A_176 : vector<16xf32>
        %parallel_loop3A_182 = arith.addf %parallel_loop3A_180, %parallel_loop3A_181 : vector<16xf32>
        %parallel_loop3A_183 = arith.addf %parallel_loop3A_182, %parallel_loop3A_177 : vector<16xf32>
        %parallel_loop3A_184 = math.exp %parallel_loop3A_183 : vector<16xf32>
        %parallel_loop3A_185 = arith.addf %get3A_74, %parallel_loop3A_184 : vector<16xf32>
        %parallel_loop3A_186 = vector.bitcast %parallel_loop3A_185 : vector<16xf32> to vector<16xi32>
        %parallel_loop3A_187 = arith.constant 1060439283 : i32
        %parallel_loop3A_188 = vector.broadcast %parallel_loop3A_187 : i32 to vector<16xi32>
        %parallel_loop3A_189 = arith.subi %parallel_loop3A_186, %parallel_loop3A_188 : vector<16xi32>
        %parallel_loop3A_190 = arith.constant 23 : i32
        %parallel_loop3A_191 = vector.broadcast %parallel_loop3A_190 : i32 to vector<16xi32>
        %parallel_loop3A_192 = arith.shrsi %parallel_loop3A_189, %parallel_loop3A_191 : vector<16xi32>
        %parallel_loop3A_193 = arith.constant 23 : i32
        %parallel_loop3A_194 = vector.broadcast %parallel_loop3A_193 : i32 to vector<16xi32>
        %parallel_loop3A_195 = arith.shli %parallel_loop3A_192, %parallel_loop3A_194 : vector<16xi32>
        %parallel_loop3A_196 = arith.subi %parallel_loop3A_186, %parallel_loop3A_195 : vector<16xi32>
        %parallel_loop3A_197 = vector.bitcast %parallel_loop3A_196 : vector<16xi32> to vector<16xf32>
        %parallel_loop3A_198 = arith.sitofp %parallel_loop3A_192 : vector<16xi32> to vector<16xf32>
        %parallel_loop3A_199 = arith.constant 2.885390e+00 : f32
        %parallel_loop3A_200 = vector.broadcast %parallel_loop3A_199 : f32 to vector<16xf32>
        %parallel_loop3A_201 = arith.mulf %parallel_loop3A_200, %parallel_loop3A_197 : vector<16xf32>
        %parallel_loop3A_202 = arith.constant 2.885390e+00 : f32
        %parallel_loop3A_203 = vector.broadcast %parallel_loop3A_202 : f32 to vector<16xf32>
        %parallel_loop3A_204 = arith.subf %parallel_loop3A_201, %parallel_loop3A_203 : vector<16xf32>
        %parallel_loop3A_205 = arith.constant 1.000000e+00 : f32
        %parallel_loop3A_206 = vector.broadcast %parallel_loop3A_205 : f32 to vector<16xf32>
        %parallel_loop3A_207 = arith.addf %parallel_loop3A_197, %parallel_loop3A_206 : vector<16xf32>
        %parallel_loop3A_208 = arith.divf %parallel_loop3A_204, %parallel_loop3A_207 : vector<16xf32>
        %parallel_loop3A_209 = arith.addf %parallel_loop3A_198, %parallel_loop3A_208 : vector<16xf32>
        %parallel_loop3A_210 = arith.sitofp %parallel_loop3A_169 : vector<16xi32> to vector<16xf32>
        %parallel_loop3A_211 = arith.mulf %parallel_loop3A_210, %parallel_loop3A_183 : vector<16xf32>
        %parallel_loop3A_212 = arith.addf %parallel_loop3A_178, %parallel_loop3A_211 : vector<16xf32>
        %parallel_loop3A_213 = arith.mulf %parallel_loop3A_179, %parallel_loop3A_209 : vector<16xf32>
        %parallel_loop3A_214 = arith.subf %parallel_loop3A_212, %parallel_loop3A_213 : vector<16xf32>
        %parallel_loop3A_215 = arith.addf %parallel_loop3A_164, %parallel_loop3A_214 : vector<16xf32>
        scf.yield %parallel_loop3A_215 : vector<16xf32>
      } {sc.loop_unroll_factor = 1 : i64, sc.parallel_access}
      scf.yield %parallel_loop3A_162 : vector<16xf32>
    }
    %scan3A_89 = arith.constant 18 : i32
    %lt3A = arith.constant 8 : i32
    %lt3A_90 = arith.cmpi slt, %add3A, %lt3A : i32
    %mul3A_91 = arith.constant 16 : i32
    %mul3A_92 = arith.muli %add3A, %mul3A_91 : i32
    %add3A_93 = arith.constant 1999872 : i32
    %add3A_94 = arith.addi %add3A_93, %mul3A_92 : i32
    %jit3A = arith.constant 0 : i32
    %select_n3A = arith.select %lt3A_90, %add3A_94, %jit3A : i32
    "tpu.region"() ({
      %run_scoped3A = tpu.sem_alloc : memref<!tpu.dma_semaphore, #tpu.memory_space<semaphore_mem>>
      %dma_start3A_144 = arith.constant 0 : i32
      %dma_start3A_145 = tpu.memref_slice %arg13[%dma_start3A_144] : memref<6944xi32, #tpu.memory_space<vmem>> -> memref<16xi32, #tpu.memory_space<vmem>>
      %dma_start3A_146 = tpu.memref_slice %arg2[%select_n3A] : memref<2000000xi32, #tpu.memory_space<hbm>> -> memref<16xi32, #tpu.memory_space<hbm>>
      %dma_start3A_147 = arith.constant 0 : i32
      %dma_start3A_148 = tpu.memref_slice %arg13[%dma_start3A_147] : memref<6944xi32, #tpu.memory_space<vmem>> -> memref<16xi32, #tpu.memory_space<vmem>>
      %dma_start3A_149 = tpu.memref_slice %arg2[%select_n3A] : memref<2000000xi32, #tpu.memory_space<hbm>> -> memref<16xi32, #tpu.memory_space<hbm>>
      tpu.enqueue_dma source(%dma_start3A_149 : memref<16xi32, #tpu.memory_space<hbm>>) target(%dma_start3A_148 : memref<16xi32, #tpu.memory_space<vmem>>) target_semaphore(%run_scoped3A : memref<!tpu.dma_semaphore, #tpu.memory_space<semaphore_mem>>)
      %dma_wait3A = arith.constant 0 : i32
      %dma_wait3A_150 = tpu.memref_slice %arg13[%dma_wait3A] : memref<6944xi32, #tpu.memory_space<vmem>> -> memref<16xi32, #tpu.memory_space<vmem>>
      %dma_wait3A_151 = tpu.memref_slice %arg2[%select_n3A] : memref<2000000xi32, #tpu.memory_space<hbm>> -> memref<16xi32, #tpu.memory_space<hbm>>
      %dma_wait3A_152 = arith.constant 0 : i32
      %dma_wait3A_153 = tpu.memref_slice %arg13[%dma_wait3A_152] : memref<6944xi32, #tpu.memory_space<vmem>> -> memref<16xi32, #tpu.memory_space<vmem>>
      %dma_wait3A_154 = tpu.memref_slice %arg2[%select_n3A] : memref<2000000xi32, #tpu.memory_space<hbm>> -> memref<16xi32, #tpu.memory_space<hbm>>
      tpu.wait_dma2 semaphore(%run_scoped3A : memref<!tpu.dma_semaphore, #tpu.memory_space<semaphore_mem>>) src(%dma_wait3A_154 : memref<16xi32, #tpu.memory_space<hbm>>) dst(%dma_wait3A_153 : memref<16xi32, #tpu.memory_space<vmem>>)
      tpu.yield
    }) : () -> ()
    "tpu.region"() ({
      %run_scoped3A = tpu.sem_alloc : memref<!tpu.dma_semaphore, #tpu.memory_space<semaphore_mem>>
      %dma_start3A_144 = arith.constant 0 : i32
      %dma_start3A_145 = tpu.memref_slice %arg14[%dma_start3A_144] : memref<6944xf32, #tpu.memory_space<vmem>> -> memref<16xf32, #tpu.memory_space<vmem>>
      %dma_start3A_146 = tpu.memref_slice %arg3[%select_n3A] : memref<2000000xf32, #tpu.memory_space<hbm>> -> memref<16xf32, #tpu.memory_space<hbm>>
      %dma_start3A_147 = arith.constant 0 : i32
      %dma_start3A_148 = tpu.memref_slice %arg14[%dma_start3A_147] : memref<6944xf32, #tpu.memory_space<vmem>> -> memref<16xf32, #tpu.memory_space<vmem>>
      %dma_start3A_149 = tpu.memref_slice %arg3[%select_n3A] : memref<2000000xf32, #tpu.memory_space<hbm>> -> memref<16xf32, #tpu.memory_space<hbm>>
      tpu.enqueue_dma source(%dma_start3A_149 : memref<16xf32, #tpu.memory_space<hbm>>) target(%dma_start3A_148 : memref<16xf32, #tpu.memory_space<vmem>>) target_semaphore(%run_scoped3A : memref<!tpu.dma_semaphore, #tpu.memory_space<semaphore_mem>>)
      %dma_wait3A = arith.constant 0 : i32
      %dma_wait3A_150 = tpu.memref_slice %arg14[%dma_wait3A] : memref<6944xf32, #tpu.memory_space<vmem>> -> memref<16xf32, #tpu.memory_space<vmem>>
      %dma_wait3A_151 = tpu.memref_slice %arg3[%select_n3A] : memref<2000000xf32, #tpu.memory_space<hbm>> -> memref<16xf32, #tpu.memory_space<hbm>>
      %dma_wait3A_152 = arith.constant 0 : i32
      %dma_wait3A_153 = tpu.memref_slice %arg14[%dma_wait3A_152] : memref<6944xf32, #tpu.memory_space<vmem>> -> memref<16xf32, #tpu.memory_space<vmem>>
      %dma_wait3A_154 = tpu.memref_slice %arg3[%select_n3A] : memref<2000000xf32, #tpu.memory_space<hbm>> -> memref<16xf32, #tpu.memory_space<hbm>>
      tpu.wait_dma2 semaphore(%run_scoped3A : memref<!tpu.dma_semaphore, #tpu.memory_space<semaphore_mem>>) src(%dma_wait3A_154 : memref<16xf32, #tpu.memory_space<hbm>>) dst(%dma_wait3A_153 : memref<16xf32, #tpu.memory_space<vmem>>)
      tpu.yield
    }) : () -> ()
    "tpu.region"() ({
      %run_scoped3A = tpu.sem_alloc : memref<!tpu.dma_semaphore, #tpu.memory_space<semaphore_mem>>
      %dma_start3A_144 = arith.constant 0 : i32
      %dma_start3A_145 = tpu.memref_slice %arg15[%dma_start3A_144] : memref<6944xi32, #tpu.memory_space<vmem>> -> memref<16xi32, #tpu.memory_space<vmem>>
      %dma_start3A_146 = tpu.memref_slice %arg4[%select_n3A] : memref<2000000xi32, #tpu.memory_space<hbm>> -> memref<16xi32, #tpu.memory_space<hbm>>
      %dma_start3A_147 = arith.constant 0 : i32
      %dma_start3A_148 = tpu.memref_slice %arg15[%dma_start3A_147] : memref<6944xi32, #tpu.memory_space<vmem>> -> memref<16xi32, #tpu.memory_space<vmem>>
      %dma_start3A_149 = tpu.memref_slice %arg4[%select_n3A] : memref<2000000xi32, #tpu.memory_space<hbm>> -> memref<16xi32, #tpu.memory_space<hbm>>
      tpu.enqueue_dma source(%dma_start3A_149 : memref<16xi32, #tpu.memory_space<hbm>>) target(%dma_start3A_148 : memref<16xi32, #tpu.memory_space<vmem>>) target_semaphore(%run_scoped3A : memref<!tpu.dma_semaphore, #tpu.memory_space<semaphore_mem>>)
      %dma_wait3A = arith.constant 0 : i32
      %dma_wait3A_150 = tpu.memref_slice %arg15[%dma_wait3A] : memref<6944xi32, #tpu.memory_space<vmem>> -> memref<16xi32, #tpu.memory_space<vmem>>
      %dma_wait3A_151 = tpu.memref_slice %arg4[%select_n3A] : memref<2000000xi32, #tpu.memory_space<hbm>> -> memref<16xi32, #tpu.memory_space<hbm>>
      %dma_wait3A_152 = arith.constant 0 : i32
      %dma_wait3A_153 = tpu.memref_slice %arg15[%dma_wait3A_152] : memref<6944xi32, #tpu.memory_space<vmem>> -> memref<16xi32, #tpu.memory_space<vmem>>
      %dma_wait3A_154 = tpu.memref_slice %arg4[%select_n3A] : memref<2000000xi32, #tpu.memory_space<hbm>> -> memref<16xi32, #tpu.memory_space<hbm>>
      tpu.wait_dma2 semaphore(%run_scoped3A : memref<!tpu.dma_semaphore, #tpu.memory_space<semaphore_mem>>) src(%dma_wait3A_154 : memref<16xi32, #tpu.memory_space<hbm>>) dst(%dma_wait3A_153 : memref<16xi32, #tpu.memory_space<vmem>>)
      tpu.yield
    }) : () -> ()
    "tpu.region"() ({
      %run_scoped3A = tpu.sem_alloc : memref<!tpu.dma_semaphore, #tpu.memory_space<semaphore_mem>>
      %dma_start3A_144 = arith.constant 0 : i32
      %dma_start3A_145 = tpu.memref_slice %arg16[%dma_start3A_144] : memref<6944xi32, #tpu.memory_space<vmem>> -> memref<16xi32, #tpu.memory_space<vmem>>
      %dma_start3A_146 = tpu.memref_slice %arg5[%select_n3A] : memref<2000000xi32, #tpu.memory_space<hbm>> -> memref<16xi32, #tpu.memory_space<hbm>>
      %dma_start3A_147 = arith.constant 0 : i32
      %dma_start3A_148 = tpu.memref_slice %arg16[%dma_start3A_147] : memref<6944xi32, #tpu.memory_space<vmem>> -> memref<16xi32, #tpu.memory_space<vmem>>
      %dma_start3A_149 = tpu.memref_slice %arg5[%select_n3A] : memref<2000000xi32, #tpu.memory_space<hbm>> -> memref<16xi32, #tpu.memory_space<hbm>>
      tpu.enqueue_dma source(%dma_start3A_149 : memref<16xi32, #tpu.memory_space<hbm>>) target(%dma_start3A_148 : memref<16xi32, #tpu.memory_space<vmem>>) target_semaphore(%run_scoped3A : memref<!tpu.dma_semaphore, #tpu.memory_space<semaphore_mem>>)
      %dma_wait3A = arith.constant 0 : i32
      %dma_wait3A_150 = tpu.memref_slice %arg16[%dma_wait3A] : memref<6944xi32, #tpu.memory_space<vmem>> -> memref<16xi32, #tpu.memory_space<vmem>>
      %dma_wait3A_151 = tpu.memref_slice %arg5[%select_n3A] : memref<2000000xi32, #tpu.memory_space<hbm>> -> memref<16xi32, #tpu.memory_space<hbm>>
      %dma_wait3A_152 = arith.constant 0 : i32
      %dma_wait3A_153 = tpu.memref_slice %arg16[%dma_wait3A_152] : memref<6944xi32, #tpu.memory_space<vmem>> -> memref<16xi32, #tpu.memory_space<vmem>>
      %dma_wait3A_154 = tpu.memref_slice %arg5[%select_n3A] : memref<2000000xi32, #tpu.memory_space<hbm>> -> memref<16xi32, #tpu.memory_space<hbm>>
      tpu.wait_dma2 semaphore(%run_scoped3A : memref<!tpu.dma_semaphore, #tpu.memory_space<semaphore_mem>>) src(%dma_wait3A_154 : memref<16xi32, #tpu.memory_space<hbm>>) dst(%dma_wait3A_153 : memref<16xi32, #tpu.memory_space<vmem>>)
      tpu.yield
    }) : () -> ()
    %get3A_95 = arith.constant 0 : index
    %get3A_96 = tpu.vector_load %arg13[%get3A_95] {strides = array<i32>} : memref<6944xi32, #tpu.memory_space<vmem>>, vector<16xi32>,
    %get3A_97 = arith.constant 0 : index
    %get3A_98 = tpu.vector_load %arg14[%get3A_97] {strides = array<i32>} : memref<6944xf32, #tpu.memory_space<vmem>>, vector<16xf32>,
    %get3A_99 = arith.constant 0 : index
    %get3A_100 = tpu.vector_load %arg15[%get3A_99] {strides = array<i32>} : memref<6944xi32, #tpu.memory_space<vmem>>, vector<16xi32>,
    %get3A_101 = arith.constant 0 : index
    %get3A_102 = tpu.vector_load %arg16[%get3A_101] {strides = array<i32>} : memref<6944xi32, #tpu.memory_space<vmem>>, vector<16xi32>,
    %gather3A = tpu.vector_load_idx %arg12[%get3A_100] : memref<100352xf32, #tpu.memory_space<vmem>>[vector<16xi32>], vector<16xf32>,
    %gather3A_103 = tpu.vector_load_idx %arg20[%get3A_102] : memref<16xf32, #tpu.memory_space<vmem>>[vector<16xi32>], vector<16xf32>,
    %gather3A_104 = tpu.vector_load_idx %arg18[%get3A_96] : memref<32xf32, #tpu.memory_space<vmem>>[vector<16xi32>], vector<16xf32>,
    %gather3A_105 = tpu.vector_load_idx %arg19[%get3A_96] : memref<32xf32, #tpu.memory_space<vmem>>[vector<16xi32>], vector<16xf32>,
    %mul3A_106 = arith.mulf %get3A_72, %get3A_98 : vector<16xf32>
    %mul3A_107 = arith.mulf %get3A_76, %gather3A : vector<16xf32>
    %add3A_108 = arith.addf %mul3A_106, %mul3A_107 : vector<16xf32>
    %add3A_109 = arith.addf %add3A_108, %gather3A_103 : vector<16xf32>
    %exp3A = math.exp %add3A_109 : vector<16xf32>
    %add3A_110 = arith.addf %get3A_74, %exp3A : vector<16xf32>
    %bitcast3A = vector.bitcast %add3A_110 : vector<16xf32> to vector<16xi32>
    %sub3A = arith.constant 1060439283 : i32
    %sub3A_111 = vector.broadcast %sub3A : i32 to vector<16xi32>
    %sub3A_112 = arith.subi %bitcast3A, %sub3A_111 : vector<16xi32>
    %shift_right_arithmetic3A = arith.constant 23 : i32
    %shift_right_arithmetic3A_113 = vector.broadcast %shift_right_arithmetic3A : i32 to vector<16xi32>
    %shift_right_arithmetic3A_114 = arith.shrsi %sub3A_112, %shift_right_arithmetic3A_113 : vector<16xi32>
    %shift_left3A = arith.constant 23 : i32
    %shift_left3A_115 = vector.broadcast %shift_left3A : i32 to vector<16xi32>
    %shift_left3A_116 = arith.shli %shift_right_arithmetic3A_114, %shift_left3A_115 : vector<16xi32>
    %sub3A_117 = arith.subi %bitcast3A, %shift_left3A_116 : vector<16xi32>
    %bitcast3A_118 = vector.bitcast %sub3A_117 : vector<16xi32> to vector<16xf32>
    %convert_element_type3A = arith.sitofp %shift_right_arithmetic3A_114 : vector<16xi32> to vector<16xf32>
    %mul3A_119 = arith.constant 2.885390e+00 : f32
    %mul3A_120 = vector.broadcast %mul3A_119 : f32 to vector<16xf32>
    %mul3A_121 = arith.mulf %mul3A_120, %bitcast3A_118 : vector<16xf32>
    %sub3A_122 = arith.constant 2.885390e+00 : f32
    %sub3A_123 = vector.broadcast %sub3A_122 : f32 to vector<16xf32>
    %sub3A_124 = arith.subf %mul3A_121, %sub3A_123 : vector<16xf32>
    %add3A_125 = arith.constant 1.000000e+00 : f32
    %add3A_126 = vector.broadcast %add3A_125 : f32 to vector<16xf32>
    %add3A_127 = arith.addf %bitcast3A_118, %add3A_126 : vector<16xf32>
    %div3A = arith.divf %sub3A_124, %add3A_127 : vector<16xf32>
    %add3A_128 = arith.addf %convert_element_type3A, %div3A : vector<16xf32>
    %convert_element_type3A_129 = arith.sitofp %get3A_96 : vector<16xi32> to vector<16xf32>
    %mul3A_130 = arith.mulf %convert_element_type3A_129, %add3A_109 : vector<16xf32>
    %add3A_131 = arith.addf %gather3A_104, %mul3A_130 : vector<16xf32>
    %mul3A_132 = arith.mulf %gather3A_105, %add3A_128 : vector<16xf32>
    %sub3A_133 = arith.subf %add3A_131, %mul3A_132 : vector<16xf32>
    %jit3A_134 = arith.constant 1.000000e+00 : f32
    %jit3A_135 = arith.constant 0.000000e+00 : f32
    %select_n3A_136 = arith.select %lt3A_90, %jit3A_134, %jit3A_135 : f32
    %mul3A_137 = vector.broadcast %select_n3A_136 : f32 to vector<16xf32>
    %mul3A_138 = arith.mulf %sub3A_133, %mul3A_137 : vector<16xf32>
    %add3A_139 = arith.addf %scan3A_88, %mul3A_138 : vector<16xf32>
    %swap3A_140 = arith.constant 0 : index
    %swap3A_141 = tpu.vector_load %arg21[%swap3A_140] {strides = array<i32>} : memref<16xf32, #tpu.memory_space<vmem>>, vector<16xf32>,
    tpu.vector_store %arg21[%swap3A_140], %add3A_139 {strides = array<i32>} : memref<16xf32, #tpu.memory_space<vmem>>, vector<16xf32>,
    %mul3A_142 = arith.constant 16 : i32
    %mul3A_143 = arith.muli %add3A, %mul3A_142 : i32
    "tpu.region"() ({
      %run_scoped3A = tpu.sem_alloc : memref<!tpu.dma_semaphore, #tpu.memory_space<semaphore_mem>>
      %dma_start3A_144 = tpu.memref_slice %arg11[%mul3A_143] : memref<512xf32, #tpu.memory_space<hbm>> -> memref<16xf32, #tpu.memory_space<hbm>>
      %dma_start3A_145 = tpu.memref_slice %arg11[%mul3A_143] : memref<512xf32, #tpu.memory_space<hbm>> -> memref<16xf32, #tpu.memory_space<hbm>>
      tpu.enqueue_dma source(%arg21 : memref<16xf32, #tpu.memory_space<vmem>>) target(%dma_start3A_145 : memref<16xf32, #tpu.memory_space<hbm>>) target_semaphore(%run_scoped3A : memref<!tpu.dma_semaphore, #tpu.memory_space<semaphore_mem>>)
      %dma_wait3A = tpu.memref_slice %arg11[%mul3A_143] : memref<512xf32, #tpu.memory_space<hbm>> -> memref<16xf32, #tpu.memory_space<hbm>>
      %dma_wait3A_146 = tpu.memref_slice %arg11[%mul3A_143] : memref<512xf32, #tpu.memory_space<hbm>> -> memref<16xf32, #tpu.memory_space<hbm>>
      tpu.wait_dma2 semaphore(%run_scoped3A : memref<!tpu.dma_semaphore, #tpu.memory_space<semaphore_mem>>) src(%arg21 : memref<16xf32, #tpu.memory_space<vmem>>) dst(%dma_wait3A_146 : memref<16xf32, #tpu.memory_space<hbm>>)
      tpu.yield
    }) : () -> ()
    return
  }
}

</mosaic_0001>

<sc_bundles>
// kernel: kernel.3.cloned.1.call-start
scs
__scs_entry_jumppad:
0x0: {  	(pc) =	sbr.rel $0x88, $3  }
0x1: {  	(tag) =	ssettag $0x0;
	lr =	simm.s32 $0x1  }
0x2: {  	[smem:$0x3F98] =	sst lr;
	_ =	strace $0xD0000000  }
0x3: {  	_ = 	snop  }
0x4: {  	_ = 	snop  }
0x5: {  	_ = 	snop  }
0x6: {  	_ = 	snop  }
0x7: {  	_ = 	snop  }
__scs_overlays_trampoline_lowered:
0x8: {  	[smem:$0x3FA7] =	sst s0  }
0x9: {  	[smem:$0x3FA8] =	sst s1  }
0xa: {  	[smem:$0x3FA9] =	sst s2  }
0xb: {  	[smem:$0x3FAA] =	sst s3  }
0xc: {  	[smem:$0x3FAB] =	sst s4  }
0xd: {  	[smem:$0x3FAC] =	sst s5  }
0xe: {  	[smem:$0x3FAD] =	sst s6  }
0xf: {  	[smem:$0x3FAE] =	sst s7  }
0x10: {  	[smem:$0x3FAF] =	sst s8  }
0x11: {  	[smem:$0x3FB0] =	sst s9;
	s0 =	simm.s32 @!p0 $0x0  }
0x12: {  	s1 =	sld [smem:$0x3F96];
	s0 =	simm.s32 @p0 $0x1  }
0x13: {  	[smem:$0x3FB1] =	sst s0;
	s0 =	simm.s32 @!p1 $0x0  }
0x14: {  	s2 =	sld [smem:$0x3F95];
	s0 =	simm.s32 @p1 $0x1  }
0x15: {  	[smem:$0x3FB2] =	sst s0;
	s0 =	simm.s32 @!p2 $0x0  }
0x16: {  	s3 =	sld [smem:$0x3FDB];
	s0 =	simm.s32 @p2 $0x1  }
0x17: {  	s4 =	simm.s32 $0x1BF5;
	[smem:$0x3FB4] =	sst s0  }
0x18: {  	s0 =	sld [smem:$0x3F97];
	_ =	swait.ge [sflag:s4], $0x0  }
0x19: {  	s7 =	sld [smem:$0x3F98]  }
0x1a: {  	s8 =	sadd.s32 $0xFFFFE003, lr  }
0x1b: {  	s9 =	sadd.s32 $0xFFFFFEF7, lr;
	s5 =	simm.s32 $0xFFFFFFFF;
	p2 =	slt.u32 s8, $0xFFFFF086  }
0x1c: {  	p1 =	slt.u32 s9, $0xF7A;
	s5 =	simm.s32 @!p2 $0x0  }
0x1d: {  	s5 =	simm.s32 @p1 $0x1;
	p0 =	seq.s32 s7, s2  }
0x1e: {  	s7 =	smul.u32 @!p0 $0xF7A, s2;
	p2 =	seq.s32 @!p0 s5, $0x0  }
0x1f: {  	s9 =	smul.u32 $0xF7A, s1;
	s8 =	simm.s32 @!p0 $0x1BF5;
	p2 =	por !p2, p0  }
0x20: {  	[sflag:s8] =	ssyncset.s32 @!p0 $0xFFFFF086;
	s6 =	sadd.s32 @!p0 s3, s7;
	s7 =	simm.s32 @!p0 $0x108  }
0x21: {  	s3 =	sadd.s32 s3, s9;
	s6 =	sadd.s32 @!p0 $0x88, s6;
	s7 =	simm.s32 @p2 $0x1082  }
0x22: {  	[simem:s7], [sflag:s8] =	dma.local @!p0 [hbm:s6], $0xF7A  }
0x23: {  	s9 =	sor.u32 $0xD0000000, s2;
	s6 =	simm.s32 $0x108;
	_ =	swait.ge @!p0 [sflag:s8], $0x0  }
0x24: {  	s3 =	sadd.s32 $0x88, s3;
	s6 =	simm.s32 @!p1 $0x1082;
	[sflag:s4] =	ssyncset.s32 $0xFFFFF086  }
0x25: {  	[simem:s6], [sflag:s4] =	dma.local [hbm:s3], $0xF7A  }
0x26: {  	[smem:$0x3F98] =	sst s1;
	(tag) =	ssettag s2;
	_ =	strace s9  }
0x27: {  	s1 =	sld [smem:$0x3FA8]  }
0x28: {  	s2 =	sld [smem:$0x3FA9]  }
0x29: {  	s4 =	sld [smem:$0x3FAB]  }
0x2a: {  	p0 =	seq.s32 s5, $0x0;
	s5 =	sld [smem:$0x3FAC]  }
0x2b: {  	s6 =	sld [smem:$0x3FAD]  }
0x2c: {  	s7 =	sld [smem:$0x3FAE]  }
0x2d: {  	s3 =	simm.s32 $0x108;
	s8 =	sld [smem:$0x3FAF]  }
0x2e: {  	s3 =	simm.s32 @!p0 $0x1082;
	s9 =	sld [smem:$0x3FB0]  }
0x2f: {  	lr =	sadd.s32 s0, s3;
	s0 =	sld [smem:$0x3FA7]  }
0x30: {  	s3 =	sld [smem:$0x3FAA]  }
0x31: {  	[smem:$0x3FB3] =	sst s10  }
0x32: {  	s10 =	sld [smem:$0x3FB1];
	_ =	sdelay $0x3  }
0x33: {  	p0 =	seq.s32 s10, $0x1;
	s10 =	sld [smem:$0x3FB3];
	_ =	sdelay $0x3  }
0x34: {  	[smem:$0x3FB3] =	sst s10  }
0x35: {  	s10 =	sld [smem:$0x3FB2];
	_ =	sdelay $0x3  }
0x36: {  	p1 =	seq.s32 s10, $0x1;
	s10 =	sld [smem:$0x3FB3];
	_ =	sdelay $0x3  }
0x37: {  	[smem:$0x3FB3] =	sst s10  }
0x38: {  	s10 =	sld [smem:$0x3FB4]  }
0x39: {  	_ = 	snop;
	(pc) =	sbr.ind lr, $3  }
0x3a: {  	_ = 	snop  }
0x3b: {  	_ = 	snop  }
0x3c: {  	p2 =	seq.s32 s10, $0x1;
	s10 =	sld [smem:$0x3FB3]  }
0x3d: {  	_ =	shalt  }
0x3e: {  	_ =	shalt  }
0x3f: {  	_ =	shalt  }
0x40: {  	_ =	shalt  }
0x41: {  	_ =	shalt  }
0x42: {  	_ =	shalt  }
0x43: {  	_ =	shalt  }
0x44: {  	_ =	shalt  }
0x45: {  	_ =	shalt  }
0x46: {  	_ =	shalt  }
0x47: {  	_ =	shalt  }
0x48: {  	_ =	shalt  }
0x49: {  	_ =	shalt  }
0x4a: {  	_ =	shalt  }
0x4b: {  	_ =	shalt  }
0x4c: {  	_ =	shalt  }
0x4d: {  	_ =	shalt  }
0x4e: {  	_ =	shalt  }
0x4f: {  	_ =	shalt  }
0x50: {  	_ =	shalt  }
0x51: {  	_ =	shalt  }
0x52: {  	_ =	shalt  }
0x53: {  	_ =	shalt  }
0x54: {  	_ =	shalt  }
0x55: {  	_ =	shalt  }
0x56: {  	_ =	shalt  }
0x57: {  	_ =	shalt  }
0x58: {  	_ =	shalt  }
0x59: {  	_ =	shalt  }
0x5a: {  	_ =	shalt  }
0x5b: {  	_ =	shalt  }
0x5c: {  	_ =	shalt  }
0x5d: {  	_ =	shalt  }
0x5e: {  	_ =	shalt  }
0x5f: {  	_ =	shalt  }
0x60: {  	_ =	shalt  }
0x61: {  	_ =	shalt  }
0x62: {  	_ =	shalt  }
0x63: {  	_ =	shalt  }
0x64: {  	_ =	shalt  }
0x65: {  	_ =	shalt  }
0x66: {  	_ =	shalt  }
0x67: {  	_ =	shalt  }
0x68: {  	_ =	shalt  }
0x69: {  	_ =	shalt  }
0x6a: {  	_ =	shalt  }
0x6b: {  	_ =	shalt  }
0x6c: {  	_ =	shalt  }
0x6d: {  	_ =	shalt  }
0x6e: {  	_ =	shalt  }
0x6f: {  	_ =	shalt  }
0x70: {  	_ =	shalt  }
0x71: {  	_ =	shalt  }
0x72: {  	_ =	shalt  }
0x73: {  	_ =	shalt  }
0x74: {  	_ =	shalt  }
0x75: {  	_ =	shalt  }
0x76: {  	_ =	shalt  }
0x77: {  	_ =	shalt  }
0x78: {  	_ =	shalt  }
0x79: {  	_ =	shalt  }
0x7a: {  	_ =	shalt  }
0x7b: {  	_ =	shalt  }
0x7c: {  	_ =	shalt  }
0x7d: {  	_ =	shalt  }
0x7e: {  	_ =	shalt  }
0x7f: {  	_ =	shalt  }
0x80: {  	_ =	shalt  }
0x81: {  	_ =	shalt  }
0x82: {  	_ =	shalt  }
0x83: {  	_ =	shalt  }
0x84: {  	_ =	shalt  }
0x85: {  	_ =	shalt  }
0x86: {  	_ =	shalt  }
0x87: {  	_ =	shalt  }
.Lfunc_end0:
.L_simem_size_0:
called_computation_lowered:
.L_overlay_start_0:
0x88: {  	s2 =	sld [smem:$0x3FD9]  }
0x89: {  	s3 =	sld [smem:$0x3FFE];
	_ =	sdelay $0x1  }
0x8a: {  	s1 =	srdreg.scid  }
0x8b: {  	s0 =	sand.u32 $0x1, s1  }
0x8c: {  	s17 =	sshll.u32 s0, $0xA;
	s2 =	sadd.s32 s3, s2  }
0x8d: {  	s2 =	sadd.s32 s2, s17  }
0x8e: {  	[smem:$0x3FBF] =	sst s2  }
0x8f: {  	_ = 	snop  }
0x90: {  	s2 =	sld [smem:$0x3FC9]  }
0x91: {  	s18 =	sld [smem:$0x3FC8]  }
0x92: {  	s4 =	sld [smem:$0x3FC7]  }
0x93: {  	s5 =	sld [smem:$0x3FC6]  }
0x94: {  	s6 =	sld [smem:$0x3FC3];
	(tm) =	ssettm $0x1  }
0x95: {  	s7 =	sld [smem:$0x3FFB];
	_ =	sdelay $0x3  }
0x96: {  	_ =	strace s7  }
0x97: {  	s7 =	sld [smem:$0x3FFC];
	_ =	sdelay $0x3  }
0x98: {  	_ =	strace s7  }
0x99: {  	s7 =	sld [smem:$0x3FFD];
	_ =	sdelay $0x3  }
0x9a: {  	_ =	strace s7  }
0x9b: {  	_ =	strace $0x8FFFFFFF  }
0x9c: {  	s19 =	sld [smem:$0x3FDB];
	_ =	sdelay $0x1  }
0x9d: {  	s8 =	simm.s32 $_scs_section_size  }
0x9e: {  	s9 =	simm.s32 $_size__tile_overlayer_lowered;
	s10 =	simm.s32 $_tile_overlayer_lowered  }
0x9f: {  	s22 =	simm.s32 $0x1BFF;
	s21 =	sshll.u32 s10, $0x1;
	s7 =	sadd.s32 s8, s19  }
0xa0: {  	s11 =	simm.s32 $0x0;
	s20 =	sshll.u32 s9, $0x1;
	s9 =	sadd.s32 s21, s7  }
0xa1: {  	[timem:s11], [sflag:s22] =	dma.local [hbm:s9], s20  }
0xa2: {  	_ =	swait.ge [sflag:s22], s20  }
0xa3: {  	s8 =	ssub.s32 $0x0, s20;
	[sflag:s22] =	ssyncset.done $0x0  }
0xa4: {  	[sflag:s22] =	ssyncadd.s32 s8;
	_ =	sdelay $0x1  }
0xa5: {  	s23 =	simm.s32 $0x1B8B  }
0xa6: {  	_ =	swait.ge [sflag:s23], $0x1  }
0xa7: {  	[sflag:s23] =	ssyncset.done $0x0  }
0xa8: {  	s25 =	simm.s32 $0x1B8E;
	s24 =	sld [smem:$0x3FFE];
	[sflag:s23] =	ssyncadd.s32 $0xFFFFFFFF  }
0xa9: {  	s26 =	simm.s32 $execute0_lowered;
	[smem:$0x3FD2] =	sst s25  }
0xaa: {  	s9 =	sshll.u32 s26, $0x1;
	_ =	strace $0x80000046;
	[dreg:$0x1] =	wrdreg $0xFFFFFFFF  }
0xab: {  	s28 =	simm.s32 $_size_execute0_lowered;
	s7 =	sadd.s32 s7, s9;
	[dreg:$0x0] =	wrdreg $0x0  }
0xac: {  	s9 =	sshll.u32 s28, $0x1;
	[dreg:$0x2] =	wrdreg s7  }
0xad: {  	[dreg:$0x3] =	wrdreg s9  }
0xae: {  	[dreg:$0x4] =	wrdreg $0xC0  }
0xaf: {  	_ =	task [dreg:s11], $0x5FFFF  }
0xb0: {  	[dreg:$0x1] =	wrdreg $0xFFFFFFFF  }
0xb1: {  	[dreg:$0x0] =	wrdreg $0x60  }
0xb2: {  	[dreg:$0x2] =	wrdreg s2  }
0xb3: {  	[dreg:$0x3] =	wrdreg s18  }
0xb4: {  	[dreg:$0x4] =	wrdreg s4  }
0xb5: {  	[dreg:$0x5] =	wrdreg s5  }
0xb6: {  	[dreg:$0x6] =	wrdreg s6  }
0xb7: {  	[dreg:$0x7] =	wrdreg s24  }
0xb8: {  	[dreg:$0x8] =	wrdreg $0x9  }
0xb9: {  	_ =	task.clear_ibuf [dreg:s11], $0x9FFFF;
	_ =	strace $0x90000046  }
0xba: {  	s29 =	simm.s32 $0x9;
	_ =	strace $0x80000048  }
0xbb: {  	_ =	swait.ge [sflag:s29], $0x1  }
0xbc: {  	[sflag:s29] =	ssyncadd.s32 $0xFFFFFFFF  }
0xbd: {  	_ =	strace $0x90000048  }
0xbe: {  	_ =	sfence  }
0xbf: {  	s30 =	sld [smem:$0x0];
	_ =	sdelay $0x2  }
0xc0: {  	s31 =	sshll.u32 s1, $0xD;
	s1 =	sshrl.u32 s1, $0x2  }
0xc1: {  	s3 =	sand.u32 $0x4000, s31;
	s1 =	sadd.s32 s1, s30  }
0xc2: {  	s0 =	sor.u32 s3, s0;
	s1 =	sshll.u32 s1, $0x11  }
0xc3: {  	s0 =	sor.u32 s1, s0  }
0xc4: {  	s0 =	sadd.s32 $0x8F2B, s0  }
0xc5: {  	[sflag:s0] =	ssyncadd.remote.s32 $0x1  }
0xc6: {  	_ =	sfence.sel $0xFFFF  }
0xc7: {  	[dreg:$0x0] =	wrdreg $0xFFFFFFFF;
	(pc) =	sbr.abs _section_cstart, $3  }
0xc8: {  	[dreg:$0x1] =	wrdreg $0xFFFFFFFF  }
0xc9: {  	_ =	task.clear_ibuf [dreg:s11], $0x2FFFF;
	_ =	strace $0x9FFFFFFF  }
0xca: {  	(tm) =	ssettm $0x7FFFFFFF  }
0xcb: {  	_ =	shalt  }
tec
execute0_lowered:
.L_overlay_start_1:
0x0: {  	(tag) =	ssettag $0x1  }
0x1: {  	s1 =	rddreg [dreg:$0x0]  }
0x2: {  	s2 =	rddreg [dreg:$0x1]  }
0x3: {  	s3 =	rddreg [dreg:$0x2]  }
0x4: {  	s4 =	rddreg [dreg:$0x3]  }
0x5: {  	s11 =	rddreg [dreg:$0x5];
	s0 =	srdreg.scid  }
0x6: {  	s12 =	stileid.u32;
	s8 =	simm.s32 $0x0;
	s28 =	simm.s32 $0x2  }
0x7: {  	s30 =	simm.s32 $0x1F680;
	s31 =	simm.s32 $0x1F700;
	s29 =	simm.s32 $0x0  }
0x8: {  	s0 =	sand.u32 $0x1, s0;
	s5 =	sshll.u32 s12, $0x1;
	[smem:$0x7FF] =	sst s8  }
0x9: {  	s6 =	sadd.s32 $0x600, s11;
	s7 =	sadd.s32 $0x200, s11;
	s22 =	sadd.s32 $0x400, s11  }
0xa: {  	p0 =	slt.u32 s12, $0x4;
	_ =	strace $0x80000047;
	[dreg:$0x7] =	wrdreg s6  }
0xb: {  	s26 =	sshll.u32 s12, $0x5;
	s5 =	sor.u32 s0, s5;
	[dreg:$0x8] =	wrdreg s7  }
0xc: {  	[dreg:$0x9] =	wrdreg s22;
	s23 =	ssub.s32 $0x2, s0;
	s0 =	sshll.u32 s0, $0x4  }
0xd: {  	s21 =	smul.u32 $0xF420, s5;
	s5 =	sshll.u32 s5, $0x1;
	s9 =	sshrl.u32 s23, $0x1  }
0xe: {  	s6 =	sor.u32 s0, s26;
	s26 =	simm.s32 $0x1DA80;
	s0 =	simm.s32 $0x1F780  }
0xf: {  	s11 =	sadd.s32 s5, s11;
	s7 =	ssub.s32 s23, s9;
	s5 =	sor.u32 $0x3D080, s5  }
0x10: {  	s23 =	simm.s32 $0x18800;
	s10 =	sshrl.u32 s21, $0x3;
	s5 =	simm.s32 @!p0 $0x0  }
0x11: {  	s16 =	sadd.s32 $0xD90, s21;
	s21 =	sadd.s32 $0x800, s11;
	s22 =	smax.u32 s7, $0x1  }
0x12: {  	s24 =	sadd.s32 s1, s10;
	s25 =	sadd.s32 s2, s10;
	s14 =	sadd.s32 s3, s10  }
0x13: {  	v1 =	vmov s6;
	s17 =	sadd.s32 s1, s5;
	s18 =	sadd.s32 s2, s5;
	s19 =	sadd.s32 s3, s5  }
0x14: {  	s20 =	sadd.s32 s4, s5;
	s5 =	simm.f32 $1.000000000e+00;
	[dreg:$0xa] =	wrdreg s24  }
0x15: {  	s15 =	sadd.s32 s4, s10;
	[dreg:$0xb] =	wrdreg s25;
	s5 =	simm.s32 @!p0 $0x0  }
0x16: {  	s24 =	simm.s32 $0x1A380;
	s25 =	simm.s32 $0x1BF00;
	v0 =	vmov s5;
	s5 =	simm.s32 $0x1  }
.LBB2_1:
0x17: {  	s6 =	rddreg [dreg:$0xa]  }
0x18: {  	[tilespmem:s23], [sflag:$0x1] =	stream.linear.gather [hbm4b:s6+s8], $0xD90, $0x38;
	[tilespmem:$0x1F880] =	vst v63  }
0x19: {  	s13 =	rddreg [dreg:$0xb]  }
0x1a: {  	[tilespmem:s24], [sflag:$0x1] =	stream.linear.gather [hbm4b:s13+s8], $0xD90, $0x38;
	[tilespmem:$0x1F880] =	vst v63  }
0x1b: {  	_ = 	snop  }
0x1c: {  	[tilespmem:s25], [sflag:$0x1] =	stream.linear.gather [hbm4b:s14+s8], $0xD90, $0x38;
	[tilespmem:$0x1F880] =	vst v63  }
0x1d: {  	_ = 	snop  }
0x1e: {  	[tilespmem:s26], [sflag:$0x1] =	stream.linear.gather [hbm4b:s15+s8], $0xD90, $0x38;
	[tilespmem:$0x1F880] =	vst v63  }
0x1f: {  	s7 =	rddreg [dreg:$0x4]  }
0x20: {  	[tilespmem:s8], [sflag:$0x2] =	stream.linear.gather [hbm4b:s7+s8], $0x186A0, $0x38;
	[tilespmem:$0x1F880] =	vst v63  }
0x21: {  	_ =	swait.ge [sflag:s28], $0x186A0  }
0x22: {  	[sflag:s28] =	ssyncset.done $0x0  }
0x23: {  	v5 =	vimm.f32 $0.0e+00;
	[sflag:s28] =	ssyncadd.s32 $0xFFFE7960  }
0x24: {  	[tilespmem:$0x186A0] =	vst v5  }
0x25: {  	[tilespmem:$0x186B0] =	vst v5  }
0x26: {  	[tilespmem:$0x186C0] =	vst v5  }
0x27: {  	[tilespmem:$0x186D0] =	vst v5  }
0x28: {  	[tilespmem:$0x186E0] =	vst v5  }
0x29: {  	[tilespmem:$0x186F0] =	vst v5  }
0x2a: {  	[tilespmem:$0x18700] =	vst v5  }
0x2b: {  	[tilespmem:$0x18710] =	vst v5  }
0x2c: {  	[tilespmem:$0x18720] =	vst v5  }
0x2d: {  	[tilespmem:$0x18730] =	vst v5  }
0x2e: {  	[tilespmem:$0x18740] =	vst v5  }
0x2f: {  	[tilespmem:$0x18750] =	vst v5  }
0x30: {  	[tilespmem:$0x18760] =	vst v5  }
0x31: {  	[tilespmem:$0x18770] =	vst v5  }
0x32: {  	[tilespmem:$0x18780] =	vst v5  }
0x33: {  	[tilespmem:$0x18790] =	vst v5  }
0x34: {  	[tilespmem:$0x187A0] =	vst v5  }
0x35: {  	[tilespmem:$0x187B0] =	vst v5  }
0x36: {  	[tilespmem:$0x187C0] =	vst v5  }
0x37: {  	[tilespmem:$0x187D0] =	vst v5  }
0x38: {  	[tilespmem:$0x187E0] =	vst v5  }
0x39: {  	s7 =	simm.s32 $0x1F600;
	s9 =	rddreg [dreg:$0x7];
	[tilespmem:$0x187F0] =	vst v5  }
0x3a: {  	[tilespmem:s7], [sflag:$0x2] =	stream.linear.gather [hbm4b:s9+s8], $0x80, $0x38;
	[tilespmem:$0x1F880] =	vst v63  }
0x3b: {  	_ =	swait.ge [sflag:s28], $0x80  }
0x3c: {  	[sflag:s28] =	ssyncset.done $0x0  }
0x3d: {  	s10 =	rddreg [dreg:$0x8];
	[sflag:s28] =	ssyncadd.s32 $0xFFFFFF80  }
0x3e: {  	[tilespmem:s30], [sflag:$0x2] =	stream.linear.gather [hbm4b:s10+s8], $0x80, $0x38;
	[tilespmem:$0x1F880] =	vst v63  }
0x3f: {  	_ =	swait.ge [sflag:s28], $0x80  }
0x40: {  	[sflag:s28] =	ssyncset.done $0x0  }
0x41: {  	[sflag:s28] =	ssyncadd.s32 $0xFFFFFF80  }
0x42: {  	s11 =	rddreg [dreg:$0x5]  }
0x43: {  	[tilespmem:s31], [sflag:$0x2] =	stream.linear.gather [hbm4b:s11+s8], $0x80, $0x38;
	[tilespmem:$0x1F880] =	vst v63  }
0x44: {  	_ =	swait.ge [sflag:s28], $0x80  }
0x45: {  	[sflag:s28] =	ssyncset.done $0x0  }
0x46: {  	s12 =	rddreg [dreg:$0x9];
	[sflag:s28] =	ssyncadd.s32 $0xFFFFFF80  }
0x47: {  	[tilespmem:s0], [sflag:$0x2] =	stream.linear.gather [hbm4b:s12+s8], $0x80, $0x38;
	[tilespmem:$0x1F880] =	vst v63  }
0x48: {  	_ =	swait.ge [sflag:s28], $0x80  }
0x49: {  	[sflag:s28] =	ssyncset.done $0x0  }
0x4a: {  	[sflag:s28] =	ssyncadd.s32 $0xFFFFFF80  }
0x4b: {  	s13 =	simm.s32 $0x0;
	v3 =	vld [tilespmem:$0x1F600]  }
0x4c: {  	v6 =	vld.idx.msk [tilespmem:v1+s13+$0x0 ss:$0x1], $0xffff  }
0x4d: {  	v4 =	vld [tilespmem:$0x1F620];
	_ =	sdelay $0x1  }
0x4e: {  	s6 =	simm.s32 $0x800;
	v2 =	vld [tilespmem:$0x1F610]  }
.LBB2_2:
0x4f: {  	s7 =	sshra.s32 s6, $0x2;
	p0 =	sne.s32 s6, $0x61800;
	s6 =	sadd.s32 $0x800, s6  }
.Ltmp0:
0x50: {  	v7 =	vmul.f32 $-5.000000000e-01, v6;
	v8 =	vmov v6;
	v6 =	vld.idx.msk [tilespmem:v1+s7+$0x0 ss:$0x1], $0xffff;
	(pc) =	sbr.rel @p0 .LBB2_2-.Ltmp0, $3  }
0x51: {  	_ = 	snop  }
0x52: {  	v7 =	vmul.f32 v7, v8;
	_ =	sdelay $0x1  }
0x53: {  	v5 =	vadd.f32 v7, v5  }
0x54: {  	v7 =	vmul.f32 $-5.000000000e-01, v6;
	_ =	sdelay $0x1  }
0x55: {  	v6 =	vmul.f32 v7, v6;
	_ =	sdelay $0x1  }
0x56: {  	s6 =	simm.s32 $0x0;
	v5 =	vadd.f32 v6, v5  }
.LBB2_4:
0x57: {  	p0 =	seq.s32 s6, $0x11  }
0x58: {  	s7 =	sand.u32 $0x1, s6;
	s9 =	smul.u32 @!p0 $0xD90, s6  }
0x59: {  	_ =	swait.ge [sflag:s5], $0x3640;
	p1 =	seq.s32 s7, $0x1  }
0x5a: {  	s7 =	simm.s32 $0xD90;
	[sflag:s5] =	ssyncset.done $0x0;
	s9 =	sadd.s32 @!p0 s9, s16  }
0x5b: {  	s12 =	simm.s32 @!p0 $0x0;
	s7 =	simm.s32 @!p1 $0x0;
	s9 =	sshrl.u32 @!p0 s9, $0x3  }
0x5c: {  	[sflag:s5] =	ssyncadd.s32 $0xFFFFC9C0;
	s10 =	ssub.s32 @!p0 $0x19590, s7;
	s11 =	sadd.s32 @!p0 s1, s9  }
0x5d: {  	[tilespmem:s10], [sflag:$0x1] =	stream.linear.gather @!p0 [hbm4b:s11+s12], $0xD90, $0x38;
	[tilespmem:$0x1F880] =	vst v63  }
0x5e: {  	s10 =	ssub.s32 @!p0 $0x1B110, s7;
	s11 =	sadd.s32 @!p0 s2, s9  }
0x5f: {  	[tilespmem:s10], [sflag:$0x1] =	stream.linear.gather @!p0 [hbm4b:s11+s12], $0xD90, $0x38;
	[tilespmem:$0x1F880] =	vst v63  }
0x60: {  	s13 =	sadd.s32 $0x1BF00, s7;
	s10 =	ssub.s32 @!p0 $0x1CC90, s7;
	s11 =	sadd.s32 @!p0 s3, s9  }
0x61: {  	v11 =	vmov s13;
	[tilespmem:s10], [sflag:$0x1] =	stream.linear.gather @!p0 [hbm4b:s11+s12], $0xD90, $0x38;
	[tilespmem:$0x1F880] =	vst v63  }
0x62: {  	s9 =	sadd.s32 @!p0 s4, s9;
	s10 =	ssub.s32 @!p0 $0x1E810, s7  }
0x63: {  	[tilespmem:s10], [sflag:$0x1] =	stream.linear.gather @!p0 [hbm4b:s9+s12], $0xD90, $0x38;
	[tilespmem:$0x1F880] =	vst v63  }
0x64: {  	s12 =	sadd.s32 $0x1DA80, s7  }
0x65: {  	s11 =	simm.s32 $0x0;
	v12 =	vmov s12  }
0x66: {  	v6 =	vld.idx.msk [tilespmem:v11+s11+$0x0 ss:$0x1], $0xffff  }
0x67: {  	s13 =	sadd.s32 $0x1A380, s7  }
0x68: {  	v13 =	vmov s13;
	_ =	sdelay $0x1  }
0x69: {  	v7 =	vld.idx.msk [tilespmem:v12+s11+$0x0 ss:$0x1], $0xffff;
	_ =	sdelay $0x2  }
0x6a: {  	v8 =	vld.idx.msk [tilespmem:v13+s11+$0x0 ss:$0x1], $0xffff  }
0x6b: {  	v6 =	vld.idx.msk [tilespmem:v6+s8+$0x0], $0xffff  }
0x6c: {  	s13 =	simm.s32 $0x10  }
0x6d: {  	v9 =	vld.idx.msk [tilespmem:v11+s13+$0x0 ss:$0x1], $0xffff;
	_ =	sdelay $0x1  }
0x6e: {  	v7 =	vld.idx.msk [tilespmem:v7+s0+$0x0], $0xffff  }
0x6f: {  	v8 =	vmul.f32 v8, v3;
	v6 =	vmul.f32 v6, v4  }
0x70: {  	v10 =	vld.idx.msk [tilespmem:v12+s13+$0x0 ss:$0x1], $0xffff  }
0x71: {  	s12 =	simm.s32 $0x20;
	v6 =	vadd.f32 v6, v8  }
0x72: {  	v8 =	vld.idx.msk [tilespmem:v11+s12+$0x0 ss:$0x1], $0xffff  }
0x73: {  	v16 =	vadd.f32 v6, v7;
	v6 =	vld.idx.msk [tilespmem:v13+s13+$0x0 ss:$0x1], $0xffff  }
0x74: {  	v7 =	vld.idx.msk [tilespmem:v9+s8+$0x0], $0xffff;
	_ =	sdelay $0x1  }
0x75: {  	v14 =	vld.idx.msk [tilespmem:v12+s12+$0x0 ss:$0x1], $0xffff;
	v9 =	vmul.f32 $1.442695020e+00, v16;
	_ =	sdelay $0x1  }
0x76: {  	(erf) = vpow2.f32 v9;
	v9 =	vld.idx.msk [tilespmem:v10+s0+$0x0], $0xffff  }
0x77: {  	v15 =	vld.idx.msk [tilespmem:v13+s12+$0x0 ss:$0x1], $0xffff;
	v6 =	vmul.f32 v6, v3;
	v7 =	vmul.f32 v7, v4  }
0x78: {  	v8 =	vld.idx.msk [tilespmem:v8+s8+$0x0], $0xffff  }
0x79: {  	s10 =	simm.s32 $0x30;
	v6 =	vadd.f32 v7, v6  }
0x7a: {  	v17 =	vld.idx.msk [tilespmem:v11+s10+$0x0 ss:$0x1], $0xffff  }
0x7b: {  	v10 =	vadd.f32 v6, v9  }
0x7c: {  	v7 =	vld.idx.msk [tilespmem:v14+s0+$0x0], $0xffff;
	v6 =	vmul.f32 v15, v3  }
0x7d: {  	v8 =	vmul.f32 v8, v4;
	v9 =	vmul.f32 $1.442695020e+00, v10  }
0x7e: {  	v15 =	vld.idx.msk [tilespmem:v12+s10+$0x0 ss:$0x1], $0xffff  }
0x7f: {  	s7 =	sadd.s32 $0x18800, s7;
	v8 =	vadd.f32 v8, v6;
	v14 =	vpop (erf);
	(erf) = vpow2.f32 v9  }
0x80: {  	s9 =	simm.s32 $0x40;
	v6 =	vmov s7;
	v9 =	vld.idx.msk [tilespmem:v13+s10+$0x0 ss:$0x1], $0xffff;
	v14 =	vadd.f32 v14, v2  }
0x81: {  	v7 =	vadd.f32 v8, v7;
	v8 =	vld.idx.msk [tilespmem:v11+s9+$0x0 ss:$0x1], $0xffff  }
0x82: {  	v17 =	vld.idx.msk [tilespmem:v17+s8+$0x0], $0xffff;
	v18 =	vadd.s32 $0xC0CAFB0D, v14  }
0x83: {  	v19 =	vand.u32 $0xFF800000, v18  }
0x84: {  	v23 =	vld.idx.msk [tilespmem:v13+s9+$0x0 ss:$0x1], $0xffff;
	v20 =	vmul.f32 $1.442695020e+00, v7;
	v19 =	vsub.s32 v14, v19  }
0x85: {  	v21 =	vld.idx.msk [tilespmem:v6+s11+$0x0 ss:$0x1], $0xffff;
	v14 =	vadd.f32 $1.000000000e+00, v19  }
0x86: {  	v15 =	vld.idx.msk [tilespmem:v15+s0+$0x0], $0xffff;
	(erf) = vpow2.f32 v20;
	v9 =	vmul.f32 v9, v3  }
0x87: {  	v22 =	vld.idx.msk [tilespmem:v12+s9+$0x0 ss:$0x1], $0xffff;
	s7 =	simm.s32 $0x50;
	(erf) = vrcp.f32 v14;
	v14 =	vmul.f32 v17, v4  }
0x88: {  	v24 =	vld.idx.msk [tilespmem:v11+s7+$0x0 ss:$0x1], $0xffff;
	v17 =	vpop (erf)  }
0x89: {  	v25 =	vld.idx.msk [tilespmem:v8+s8+$0x0], $0xffff;
	v8 =	vadd.f32 v14, v9;
	v9 =	vadd.f32 v17, v2;
	_ =	sdelay $0x1  }
0x8a: {  	v8 =	vadd.f32 v8, v15;
	v15 =	vadd.s32 $0xC0CAFB0D, v9  }
0x8b: {  	v20 =	vld.idx.msk [tilespmem:v12+s7+$0x0 ss:$0x1], $0xffff;
	v17 =	vand.u32 $0xFF800000, v15  }
0x8c: {  	v19 =	vmul.f32 $2.885390040e+00, v19;
	v14 =	vld.idx.msk [tilespmem:v6+s13+$0x0 ss:$0x1], $0xffff;
	v27 =	vmul.f32 $1.442695020e+00, v8;
	v17 =	vsub.s32 v9, v17  }
0x8d: {  	v30 =	vmul.f32 v23, v3;
	v29 =	vld.idx.msk [tilespmem:v21+s30+$0x0], $0xffff;
	v32 =	vadd.f32 $1.000000000e+00, v17  }
0x8e: {  	v19 =	vadd.f32 $-2.885390040e+00, v19;
	v26 =	vcvt.s32.f32 v21;
	v9 =	vld.idx.msk [tilespmem:v22+s0+$0x0], $0xffff;
	v28 =	vpop (erf);
	(erf) = vpow2.f32 v27  }
0x8f: {  	v18 =	vshra.s32 v18, $0x17;
	v31 =	vld.idx.msk [tilespmem:v21+s31+$0x0], $0xffff;
	v25 =	vmul.f32 v25, v4;
	v21 =	vpop (erf);
	(erf) = vrcp.f32 v32  }
0x90: {  	v18 =	vcvt.s32.f32 v18;
	v23 =	vld.idx.msk [tilespmem:v24+s8+$0x0], $0xffff;
	v19 =	vmul.f32 v21, v19  }
0x91: {  	s11 =	simm.s32 $0x60;
	v26 =	vmul.f32 v26, v16;
	v22 =	vld.idx.msk [tilespmem:v13+s7+$0x0 ss:$0x1], $0xffff;
	v24 =	vadd.f32 v28, v2;
	v25 =	vadd.f32 v25, v30  }
0x92: {  	v21 =	vld.idx.msk [tilespmem:v11+s11+$0x0 ss:$0x1], $0xffff;
	v30 =	vadd.f32 v18, v19  }
0x93: {  	v16 =	vld.idx.msk [tilespmem:v6+s12+$0x0 ss:$0x1], $0xffff;
	v9 =	vadd.f32 v25, v9;
	v25 =	vadd.f32 v26, v29;
	v18 =	vadd.s32 $0xC0CAFB0D, v24  }
0x94: {  	s12 =	simm.s32 $0x1C0;
	v27 =	vld.idx.msk [tilespmem:v12+s11+$0x0 ss:$0x1], $0xffff;
	v19 =	vcvt.s32.f32 v14;
	v28 =	vand.u32 $0xFF800000, v18;
	v26 =	vmul.f32 v30, v31  }
.LBB2_5:
0x95: {  	p0 =	sne.s32 s12, $0x3600;
	v29 =	vmul.f32 $1.442695020e+00, v9;
	v30 =	vld.idx.msk [tilespmem:v14+s30+$0x0], $0xffff;
	v31 =	vmul.f32 $2.885390040e+00, v17;
	v17 =	vsub.s32 v24, v28  }
0x96: {  	v24 =	vmul.f32 v22, v3;
	v28 =	vld.idx.msk [tilespmem:v20+s0+$0x0], $0xffff;
	v32 =	vadd.f32 $1.000000000e+00, v17;
	v22 =	vsub.f32 v25, v26  }
0x97: {  	v25 =	vmul.f32 v23, v4;
	(erf) = vpow2.f32 v29;
	v26 =	vpop (erf);
	v29 =	vld.idx.msk [tilespmem:v14+s31+$0x0], $0xffff;
	v23 =	vadd.f32 $-2.885390040e+00, v31  }
0x98: {  	v33 =	vshra.s32 v15, $0x17;
	(erf) = vrcp.f32 v32;
	v20 =	vpop (erf);
	v5 =	vadd.f32 v22, v5  }
.Ltmp1:
0x99: {  	v15 =	vmovc v18;
	v31 =	vcvt.s32.f32 v33;
	v14 =	vmovc v16;
	v22 =	vld.idx.msk [tilespmem:v13+s11+$0x0 ss:$0x1], $0xffff;
	v32 =	vmul.f32 v20, v23;
	v20 =	vmov v27;
	(pc) =	sbr.rel @p0 .LBB2_5-.Ltmp1, $4  }
0x9a: {  	s13 =	sshra.s32 s12, $0x2;
	v25 =	vadd.f32 v25, v24;
	v24 =	vadd.f32 v26, v2;
	v23 =	vld.idx.msk [tilespmem:v21+s8+$0x0], $0xffff  }
0x9b: {  	v21 =	vld.idx.msk [tilespmem:v11+s13+$0x0 ss:$0x1], $0xffff;
	v26 =	vadd.f32 v31, v32;
	v31 =	vmul.f32 v19, v10;
	v10 =	vmovc v7;
	v7 =	vmov v8  }
0x9c: {  	v18 =	vadd.s32 $0xC0CAFB0D, v24;
	v19 =	vcvt.s32.f32 v14;
	v8 =	vmovc v9;
	v9 =	vadd.f32 v25, v28;
	v16 =	vld.idx.msk [tilespmem:v6+s10+$0x0 ss:$0x1], $0xffff;
	s10 =	smov.u32 s9;
	s9 =	smov.u32 s7;
	s7 =	smov.u32 s11  }
0x9d: {  	s12 =	sadd.s32 $0x40, s12;
	v28 =	vand.u32 $0xFF800000, v18;
	s11 =	smov.u32 s13;
	v27 =	vld.idx.msk [tilespmem:v12+s13+$0x0 ss:$0x1], $0xffff;
	v25 =	vadd.f32 v31, v30;
	v26 =	vmul.f32 v26, v29  }
0x9e: {  	_ =	sdelay $0x4  }
0x9f: {  	v11 =	vld.idx.msk [tilespmem:v13+s11+$0x0 ss:$0x1], $0xffff  }
0xa0: {  	v12 =	vld.idx.msk [tilespmem:v21+s8+$0x0], $0xffff;
	_ =	sdelay $0x1  }
0xa1: {  	v31 =	vld.idx.msk [tilespmem:v20+s0+$0x0], $0xffff;
	v32 =	vmul.f32 v22, v3;
	v33 =	vmul.f32 v23, v4;
	_ =	sdelay $0x1  }
0xa2: {  	v34 =	vmul.f32 $1.442695020e+00, v9;
	v35 =	vpop (erf);
	v20 =	vadd.f32 v33, v32;
	v36 =	vld.idx.msk [tilespmem:v27+s0+$0x0], $0xffff  }
0xa3: {  	v23 =	vadd.f32 v35, v2;
	v11 =	vmul.f32 v11, v3;
	v12 =	vmul.f32 v12, v4  }
0xa4: {  	v24 =	vsub.s32 v24, v28;
	(erf) = vpow2.f32 v34  }
0xa5: {  	v13 =	vadd.f32 v20, v31;
	v37 =	vadd.s32 $0xC0CAFB0D, v23;
	v11 =	vadd.f32 v12, v11  }
0xa6: {  	v39 =	vadd.f32 $1.000000000e+00, v24;
	v40 =	vand.u32 $0xFF800000, v37  }
0xa7: {  	v41 =	vmul.f32 $1.442695020e+00, v13;
	v22 =	vsub.s32 v23, v40;
	v11 =	vadd.f32 v11, v36  }
0xa8: {  	v38 =	vmul.f32 $2.885390040e+00, v17;
	(erf) = vrcp.f32 v39;
	v42 =	vadd.f32 $1.000000000e+00, v22  }
0xa9: {  	(erf) = vpow2.f32 v41;
	v44 =	vmul.f32 $1.442695020e+00, v11  }
0xaa: {  	v46 =	vpop (erf);
	(erf) = vrcp.f32 v42  }
0xab: {  	v43 =	vld.idx.msk [tilespmem:v14+s30+$0x0], $0xffff;
	v12 =	vadd.f32 $-2.885390040e+00, v38;
	(erf) = vpow2.f32 v44  }
0xac: {  	v15 =	vshra.s32 v15, $0x17;
	v45 =	vld.idx.msk [tilespmem:v14+s31+$0x0], $0xffff  }
0xad: {  	v15 =	vcvt.s32.f32 v15;
	v12 =	vmul.f32 v46, v12  }
0xae: {  	v50 =	vld.idx.msk [tilespmem:v6+s10+$0x0 ss:$0x1], $0xffff;
	v48 =	vsub.f32 v25, v26;
	v49 =	vmul.f32 $2.885390040e+00, v24;
	v47 =	vpop (erf)  }
0xaf: {  	v10 =	vmul.f32 v19, v10;
	v17 =	vadd.f32 v47, v2;
	v12 =	vadd.f32 v15, v12  }
0xb0: {  	v55 =	vshra.s32 v18, $0x17;
	v5 =	vadd.f32 v48, v5;
	v15 =	vadd.f32 $-2.885390040e+00, v49  }
0xb1: {  	v10 =	vadd.f32 v10, v43;
	v53 =	vpop (erf);
	v52 =	vadd.s32 $0xC0CAFB0D, v17;
	v12 =	vmul.f32 v12, v45  }
0xb2: {  	v51 =	vcvt.s32.f32 v16;
	v56 =	vand.u32 $0xFF800000, v52;
	v15 =	vmul.f32 v53, v15;
	v57 =	vpop (erf)  }
0xb3: {  	v10 =	vsub.f32 v10, v12;
	v12 =	vcvt.s32.f32 v55;
	v59 =	vpop (erf);
	v18 =	vadd.f32 v57, v2  }
0xb4: {  	v63 =	vld.idx.msk [tilespmem:v6+s9+$0x0 ss:$0x1], $0xffff;
	v7 =	vmul.f32 v51, v7;
	v19 =	vcvt.s32.f32 v50;
	v17 =	vsub.s32 v17, v56;
	v62 =	vpop (erf)  }
0xb5: {  	v54 =	vld.idx.msk [tilespmem:v16+s30+$0x0], $0xffff;
	v12 =	vadd.f32 v12, v15;
	v32 =	vadd.s32 $0xC0CAFB0D, v18;
	v15 =	vadd.f32 v62, v2  }
0xb6: {  	v20 =	vshra.s32 v37, $0x17;
	v34 =	vld.idx.msk [tilespmem:v50+s30+$0x0], $0xffff;
	v58 =	vadd.f32 $1.000000000e+00, v17;
	v33 =	vand.u32 $0xFF800000, v32  }
0xb7: {  	v39 =	vld.idx.msk [tilespmem:v6+s7+$0x0 ss:$0x1], $0xffff;
	v61 =	vmul.f32 $2.885390040e+00, v22;
	v18 =	vsub.s32 v18, v33;
	v35 =	vadd.s32 $0xC0CAFB0D, v15  }
0xb8: {  	v60 =	vld.idx.msk [tilespmem:v16+s31+$0x0], $0xffff;
	(erf) = vrcp.f32 v58;
	v37 =	vadd.f32 $1.000000000e+00, v18;
	v38 =	vand.u32 $0xFF800000, v35  }
0xb9: {  	v6 =	vld.idx.msk [tilespmem:v6+s11+$0x0 ss:$0x1], $0xffff;
	v8 =	vmul.f32 v19, v8;
	v14 =	vadd.f32 $-2.885390040e+00, v61;
	v15 =	vsub.s32 v15, v38  }
0xba: {  	v20 =	vcvt.s32.f32 v20;
	v36 =	vld.idx.msk [tilespmem:v50+s31+$0x0], $0xffff;
	(erf) = vrcp.f32 v37;
	v40 =	vadd.f32 $1.000000000e+00, v15  }
0xbb: {  	v7 =	vadd.f32 v7, v54;
	v8 =	vadd.f32 v8, v34;
	v14 =	vmul.f32 v59, v14  }
0xbc: {  	v49 =	vcvt.s32.f32 v39;
	v45 =	vshra.s32 v52, $0x17;
	(erf) = vrcp.f32 v40  }
0xbd: {  	v47 =	vcvt.s32.f32 v45;
	v12 =	vmul.f32 v12, v60;
	v14 =	vadd.f32 v20, v14  }
0xbe: {  	v56 =	vcvt.s32.f32 v6;
	v17 =	vmul.f32 $2.885390040e+00, v17;
	v5 =	vadd.f32 v10, v5  }
0xbf: {  	v53 =	vshra.s32 v32, $0x17;
	v7 =	vsub.f32 v7, v12;
	v41 =	vmul.f32 v14, v36  }
0xc0: {  	v42 =	vld.idx.msk [tilespmem:v63+s30+$0x0], $0xffff;
	v43 =	vadd.f32 $-2.885390040e+00, v17;
	v16 =	vcvt.s32.f32 v53;
	v18 =	vmul.f32 $2.885390040e+00, v18  }
0xc1: {  	v44 =	vld.idx.msk [tilespmem:v63+s31+$0x0], $0xffff;
	v5 =	vadd.f32 v7, v5;
	v7 =	vcvt.s32.f32 v63;
	v8 =	vsub.f32 v8, v41;
	v46 =	vpop (erf)  }
0xc2: {  	v50 =	vld.idx.msk [tilespmem:v39+s30+$0x0], $0xffff;
	v51 =	vadd.f32 $-2.885390040e+00, v18;
	v14 =	vmul.f32 v46, v43;
	v15 =	vmul.f32 $2.885390040e+00, v15  }
0xc3: {  	v52 =	vld.idx.msk [tilespmem:v39+s31+$0x0], $0xffff;
	v7 =	vmul.f32 v7, v9;
	v9 =	vmul.f32 v49, v13;
	v57 =	vshra.s32 v35, $0x17;
	v54 =	vpop (erf)  }
0xc4: {  	v55 =	vld.idx.msk [tilespmem:v6+s30+$0x0], $0xffff;
	v48 =	vadd.f32 v47, v14;
	v15 =	vadd.f32 $-2.885390040e+00, v15;
	v14 =	vmul.f32 v54, v51  }
0xc5: {  	v6 =	vld.idx.msk [tilespmem:v6+s31+$0x0], $0xffff;
	v5 =	vadd.f32 v8, v5;
	v7 =	vadd.f32 v7, v42;
	v59 =	vcvt.s32.f32 v57;
	v58 =	vpop (erf)  }
0xc6: {  	v8 =	vmul.f32 v48, v44;
	v14 =	vadd.f32 v16, v14;
	v15 =	vmul.f32 v58, v15  }
0xc7: {  	v11 =	vmul.f32 v56, v11;
	v60 =	vadd.f32 v9, v50  }
0xc8: {  	s6 =	sadd.s32 $0x1, s6;
	v7 =	vsub.f32 v7, v8;
	v61 =	vmul.f32 v14, v52;
	v62 =	vadd.f32 v59, v15  }
0xc9: {  	p0 =	sne.s32 s6, $0x12;
	v63 =	vadd.f32 v11, v55  }
.Ltmp2:
0xca: {  	v5 =	vadd.f32 v7, v5;
	v7 =	vsub.f32 v60, v61;
	v6 =	vmul.f32 v62, v6;
	(pc) =	sbr.rel @p0 .LBB2_4-.Ltmp2, $3  }
0xcb: {  	_ = 	snop  }
0xcc: {  	v5 =	vadd.f32 v7, v5;
	v6 =	vsub.f32 v63, v6;
	_ =	sdelay $0x1  }
0xcd: {  	v5 =	vadd.f32 v6, v5  }
0xce: {  	[tilespmem:s23], [sflag:$0x2] =	stream.linear.gather [hbm4b:s17+s8], $0x10, $0x38;
	[tilespmem:$0x1F880] =	vst v63  }
0xcf: {  	_ =	swait.ge [sflag:s28], $0x10  }
0xd0: {  	[sflag:s28] =	ssyncset.done $0x0  }
0xd1: {  	[sflag:s28] =	ssyncadd.s32 $0xFFFFFFF0  }
0xd2: {  	[tilespmem:s24], [sflag:$0x2] =	stream.linear.gather [hbm4b:s18+s8], $0x10, $0x38;
	[tilespmem:$0x1F880] =	vst v63  }
0xd3: {  	_ =	swait.ge [sflag:s28], $0x10  }
0xd4: {  	[sflag:s28] =	ssyncset.done $0x0  }
0xd5: {  	[sflag:s28] =	ssyncadd.s32 $0xFFFFFFF0  }
0xd6: {  	[tilespmem:s25], [sflag:$0x2] =	stream.linear.gather [hbm4b:s19+s8], $0x10, $0x38;
	[tilespmem:$0x1F880] =	vst v63  }
0xd7: {  	_ =	swait.ge [sflag:s28], $0x10  }
0xd8: {  	[sflag:s28] =	ssyncset.done $0x0  }
0xd9: {  	[sflag:s28] =	ssyncadd.s32 $0xFFFFFFF0  }
0xda: {  	[tilespmem:s26], [sflag:$0x2] =	stream.linear.gather [hbm4b:s20+s8], $0x10, $0x38;
	[tilespmem:$0x1F880] =	vst v63  }
0xdb: {  	_ =	swait.ge [sflag:s28], $0x10  }
0xdc: {  	[sflag:s28] =	ssyncset.done $0x0  }
0xdd: {  	[sflag:s28] =	ssyncadd.s32 $0xFFFFFFF0  }
0xde: {  	v6 =	vld [tilespmem:$0x1BF00];
	_ =	sdelay $0x3  }
0xdf: {  	v7 =	vld [tilespmem:$0x1DA80];
	_ =	sdelay $0x2  }
0xe0: {  	v8 =	vld [tilespmem:$0x1A380]  }
0xe1: {  	v6 =	vld.idx.msk [tilespmem:v6+s8+$0x0], $0xffff;
	_ =	sdelay $0x3  }
0xe2: {  	v7 =	vld.idx.msk [tilespmem:v7+s0+$0x0], $0xffff  }
0xe3: {  	v3 =	vmul.f32 v8, v3;
	v4 =	vmul.f32 v6, v4;
	_ =	sdelay $0x1  }
0xe4: {  	v3 =	vadd.f32 v4, v3;
	_ =	sdelay $0x1  }
0xe5: {  	v3 =	vadd.f32 v3, v7;
	_ =	sdelay $0x1  }
0xe6: {  	v59 =	vmul.f32 $1.442695020e+00, v3;
	_ =	sdelay $0x1  }
0xe7: {  	(erf) = vpow2.f32 v59;
	_ =	sdelay $0x8  }
0xe8: {  	v4 =	vpop (erf)  }
0xe9: {  	v2 =	vadd.f32 v4, v2;
	_ =	sdelay $0x1  }
0xea: {  	v4 =	vadd.s32 $0xC0CAFB0D, v2  }
0xeb: {  	v60 =	vand.u32 $0xFF800000, v4  }
0xec: {  	v2 =	vsub.s32 v2, v60  }
0xed: {  	v6 =	vadd.f32 $1.000000000e+00, v2;
	_ =	sdelay $0x1  }
0xee: {  	v61 =	vld [tilespmem:$0x18800];
	(erf) = vrcp.f32 v6;
	_ =	sdelay $0x5  }
0xef: {  	v2 =	vmul.f32 $2.885390040e+00, v2;
	_ =	sdelay $0x1  }
0xf0: {  	v62 =	vld.idx.msk [tilespmem:v61+s30+$0x0], $0xffff;
	v2 =	vadd.f32 $-2.885390040e+00, v2  }
0xf1: {  	v63 =	vld.idx.msk [tilespmem:v61+s31+$0x0], $0xffff;
	v7 =	vcvt.s32.f32 v61;
	v4 =	vshra.s32 v4, $0x17;
	v9 =	vpop (erf)  }
0xf2: {  	v4 =	vcvt.s32.f32 v4;
	v2 =	vmul.f32 v9, v2;
	_ =	sdelay $0x1  }
0xf3: {  	v3 =	vmul.f32 v7, v3;
	v2 =	vadd.f32 v4, v2;
	_ =	sdelay $0x1  }
0xf4: {  	v3 =	vadd.f32 v3, v62;
	v2 =	vmul.f32 v2, v63;
	_ =	sdelay $0x1  }
0xf5: {  	v2 =	vsub.f32 v3, v2;
	_ =	sdelay $0x1  }
0xf6: {  	v2 =	vmul.f32 v2, v0;
	_ =	sdelay $0x1  }
0xf7: {  	s29 =	sadd.s32 $0x1, s29;
	v2 =	vadd.f32 v2, v5  }
0xf8: {  	p0 =	sne.s32 s29, s22  }
.Ltmp3:
0xf9: {  	s6 =	simm.s32 $0x1F800;
	[tilespmem:$0x1F800] =	vst v2;
	(pc) =	sbr.rel @p0 .LBB2_1-.Ltmp3, $4  }
0xfa: {  	[hbm4b:s21+s8] =	stream.linear.scatter [tilespmem:s6], [sflag:$0x2], $0x10, $0x38;
	[tilespmem:$0x1F880] =	vst v63  }
0xfb: {  	_ =	swait.ge [sflag:s28], $0x10  }
0xfc: {  	[sflag:s28] =	ssyncset.done $0x0  }
0xfd: {  	[sflag:s28] =	ssyncadd.s32 $0xFFFFFFF0  }
0xfe: {  	_ =	sfence.sel $0x180000  }
0xff: {  	[bflag:$0x0] =	sbarrier.arrive $0xFFFF  }
0x100: {  	_ =	strace $0x90000047  }
0x101: {  	s0 =	stileid.u32;
	[bflag:$0x2] =	sbarrier.arrive $0xFFFF  }
0x102: {  	p0 =	sne.s32 s0, $0x0;
	s0 =	rddreg [dreg:$0x6]  }
0x103: {  	s0 =	sadd.s32 @!p0 $0x100000, s0  }
0x104: {  	[sflag:s0] =	ssyncadd.tile.s32 @!p0 $0x1;
	_ =	shalt  }
.Lfunc_end2:
_tile_overlayer_lowered:
.L_overlay_start_2:
0x105: {  	(tag) =	ssettag $0x2  }
0x106: {  	s0 =	rddreg [dreg:$0x0];
	s2 =	stileid.u32  }
0x107: {  	s1 =	rddreg [dreg:$0x1];
	p0 =	sne.s32 s2, $0x0  }
0x108: {  	s3 =	rddreg [dreg:$0x2];
	[bflag:$0x3] =	sbarrier.arrive $0xFFFF;
	s2 =	simm.s32 @!p0 $0x1C02  }
0x109: {  	[timem:s3], [sflag:s2] =	dma.local @!p0 [hbm:s0], s1  }
0x10a: {  	s0 =	simm.s32 @!p0 $0x2  }
0x10b: {  	_ =	swait.ge @!p0 [sflag:s0], s1  }
0x10c: {  	s1 =	ssub.s32 @!p0 $0x0, s1;
	[sflag:s0] =	ssyncset.done @!p0 $0x0  }
0x10d: {  	[sflag:s0] =	ssyncadd.s32 @!p0 s1  }
0x10e: {  	[bflag:$0x3] =	sbarrier.arrive $0xFFFF  }
0x10f: {  	_ =	shalt  }

</sc_bundles>
